<compile_context>
chip_gen: v7x
topology: tpu7x:2x2x1
jax: 0.10.2.dev20260603
libtpu: 0.0.44.dev20260713+nightly
codegen_flags: <defaults>
</compile_context>

<pallas_src>
import functools

import jax
import jax.numpy as jnp
from jax import lax
from jax.experimental import pallas as pl
from jax.experimental.pallas import tpu as pltpu
from jax.experimental.pallas import tpu_sc as plsc

N_NODES = 10000
D = 128
N_PAD = 10240
E_PAD = 327680
CHUNKS = 80
CW = 128
CPT0 = 120
CPT1 = 40
GCH = 8
ROWS_PER_TILE = N_PAD // 16

_mesh = plsc.VectorSubcoreMesh(core_axis_name="c", subcore_axis_name="s")


@functools.partial(
    pl.kernel,
    mesh=_mesh,
    out_type=jax.ShapeDtypeStruct((2, N_PAD), jnp.float32),
    scratch_types=[
        pltpu.VMEM((CHUNKS, CW), jnp.int32),
        pltpu.VMEM((CW,), jnp.float32),
        pltpu.VMEM_SHARED((N_PAD,), jnp.float32),
    ],
)
def _deg_kernel(dst_hbm, zeros1_hbm, deg_out, idx_v, ones_v, deg_sh):
    c = lax.axis_index("c")
    s = lax.axis_index("s")
    w = s * 2 + c
    pltpu.sync_copy(dst_hbm.at[pl.ds(w * CHUNKS, CHUNKS)], idx_v)
    for k in range(CW // 16):
        ones_v[pl.ds(k * 16, 16)] = jnp.ones((16,), jnp.float32)
    sl = pl.ds(s * ROWS_PER_TILE, ROWS_PER_TILE)
    pltpu.sync_copy(zeros1_hbm.at[sl], deg_sh.at[sl])
    plsc.subcore_barrier()

    def body(j, carry):
        pltpu.sync_copy(ones_v, deg_sh.at[idx_v.at[j]], add=True)
        return carry

    lax.fori_loop(0, CHUNKS, body, 0)
    plsc.subcore_barrier()
    pltpu.sync_copy(deg_sh.at[sl], deg_out.at[c, sl])


@functools.partial(
    pl.kernel,
    mesh=_mesh,
    out_type=jax.ShapeDtypeStruct((2, N_PAD, D), jnp.float32),
    scratch_types=[
        pltpu.VMEM((GCH, CW), jnp.int32),
        pltpu.VMEM((GCH, CW), jnp.int32),
        pltpu.VMEM((CW, D), jnp.float32),
        pltpu.VMEM((CW, D), jnp.float32),
        pltpu.VMEM_SHARED((N_PAD, D), jnp.float32),
        pltpu.SemaphoreType.DMA,
        pltpu.SemaphoreType.DMA,
    ],
)
def _agg_kernel(src_hbm, dst_hbm, xn_hbm, zeros2_hbm, agg_out,
                sidx_v, didx_v, rows_a, rows_b, agg_sh, sem_a, sem_b):
    c = lax.axis_index("c")
    s = lax.axis_index("s")
    sl = pl.ds(s * ROWS_PER_TILE, ROWS_PER_TILE)
    pltpu.sync_copy(zeros2_hbm.at[sl], agg_sh.at[sl])
    plsc.subcore_barrier()

    nch = jnp.where(c == 0, CPT0, CPT1)
    base = jnp.where(c == 0, s * CPT0, 16 * CPT0 + s * CPT1)

    def group_body(g, carry):
        cb = base + g * GCH
        pltpu.sync_copy(src_hbm.at[pl.ds(cb, GCH)], sidx_v)
        pltpu.sync_copy(dst_hbm.at[pl.ds(cb, GCH)], didx_v)
        pltpu.async_copy(xn_hbm.at[sidx_v.at[0]], rows_a, sem_a)

        def body(i, carry2):
            j0 = 2 * i
            j1 = j0 + 1
            pltpu.make_async_copy(
                xn_hbm.at[sidx_v.at[j0]], rows_a, sem_a).wait()
            pltpu.async_copy(xn_hbm.at[sidx_v.at[j1]], rows_b, sem_b)
            pltpu.sync_copy(rows_a, agg_sh.at[didx_v.at[j0]], add=True)
            pltpu.make_async_copy(
                xn_hbm.at[sidx_v.at[j1]], rows_b, sem_b).wait()

            @pl.when(i < GCH // 2 - 1)
            def _():
                pltpu.async_copy(xn_hbm.at[sidx_v.at[j0 + 2]], rows_a, sem_a)

            pltpu.sync_copy(rows_b, agg_sh.at[didx_v.at[j1]], add=True)
            return carry2

        lax.fori_loop(0, GCH // 2, body, 0)
        return carry

    lax.fori_loop(0, nch // GCH, group_body, 0)
    plsc.subcore_barrier()
    pltpu.sync_copy(agg_sh.at[sl], agg_out.at[c, sl])


def _xnorm_body(deg_ref, x_ref, o_ref):
    deg = deg_ref[0] + deg_ref[1]
    norm = lax.rsqrt(1.0 + deg)
    o_ref[...] = x_ref[...] * norm[:, None]


def _xnorm(deg_p, x_pad):
    blk = N_PAD // 8
    return pl.pallas_call(
        _xnorm_body,
        grid=(8,),
        in_specs=[
            pl.BlockSpec((2, blk), lambda i: (0, i)),
            pl.BlockSpec((blk, D), lambda i: (i, 0)),
        ],
        out_specs=pl.BlockSpec((blk, D), lambda i: (i, 0)),
        out_shape=jax.ShapeDtypeStruct((N_PAD, D), jnp.float32),
    )(deg_p, x_pad)


def _final_body(agg_ref, xn_ref, deg_ref, o_ref):
    deg = deg_ref[0] + deg_ref[1]
    norm = lax.rsqrt(1.0 + deg)
    agg = agg_ref[0] + agg_ref[1]
    o_ref[...] = (agg + xn_ref[...]) * norm[:, None]


def _final(agg_p, xn, deg_p):
    blk = N_PAD // 8
    return pl.pallas_call(
        _final_body,
        grid=(8,),
        in_specs=[
            pl.BlockSpec((2, blk, D), lambda i: (0, i, 0)),
            pl.BlockSpec((blk, D), lambda i: (i, 0)),
            pl.BlockSpec((2, blk), lambda i: (0, i)),
        ],
        out_specs=pl.BlockSpec((blk, D), lambda i: (i, 0)),
        out_shape=jax.ShapeDtypeStruct((N_PAD, D), jnp.float32),
    )(agg_p, xn, deg_p)


def kernel(x, edge_index):
    ei = edge_index.astype(jnp.int32)
    n_edges = ei.shape[1]
    pad = E_PAD - n_edges
    src = jnp.concatenate(
        [ei[0], jnp.full((pad,), N_NODES, jnp.int32)]).reshape(-1, CW)
    dst = jnp.concatenate(
        [ei[1], jnp.full((pad,), N_NODES, jnp.int32)]).reshape(-1, CW)
    x_pad = jnp.pad(x, ((0, N_PAD - x.shape[0]), (0, 0)))
    zeros1 = jnp.zeros((N_PAD,), jnp.float32)
    zeros2 = jnp.zeros((N_PAD, D), jnp.float32)

    deg_p = _deg_kernel(dst, zeros1)
    xn = _xnorm(deg_p, x_pad)
    agg_p = _agg_kernel(src, dst, xn, zeros2)
    out = _final(agg_p, xn, deg_p)
    return out[:N_NODES]

# --- scband reference (transcript-rebuilt; emitter-appended) ---
"""Pipeline reference for scband-pure-conv-5162550690706 (READ-ONLY COPY).

The authoritative reference and input builder live on the scoring server;
editing this copy changes nothing except your own understanding.
"""

import jax, jax.numpy as jnp
import numpy as np

N_NODES = 10000
N_EDGES = 320000
D_FEAT = 128


def setup_inputs(seed: int = 0) -> dict:
    key = jax.random.key(seed)
    k1, k2 = jax.random.split(key)
    x = jax.random.normal(k1, (N_NODES, D_FEAT), dtype=jnp.float32)
    edge_index = jax.random.randint(k2, (2, N_EDGES), 0, N_NODES, dtype=jnp.int64)
    return {"x": x, "edge_index": edge_index}


def reference(x, edge_index):
    # PureConv with aggr='gcn', lin = Identity (indim == outdim).
    # adj_t convention: row = dst, col = src. adj_t.sum(dim=-1) = in-degree of dst.
    src = edge_index[0]
    dst = edge_index[1]
    n = x.shape[0]
    deg = jax.ops.segment_sum(jnp.ones((edge_index.shape[1],), dtype=x.dtype), dst, num_segments=n)
    norm = jax.lax.rsqrt(1.0 + deg).reshape(-1, 1)
    x = norm * x
    agg = jax.ops.segment_sum(jnp.take(x, src, axis=0), dst, num_segments=n)  # spmm_add(adj_t, x)
    x = agg + x
    x = norm * x
    return x

if __name__ == "__main__":
    import jax
    _d = setup_inputs()
    print(jax.jit(kernel)(*tuple(_d.values())))

</pallas_src>

<mosaic_0001>
#map = affine_map<(d0, d1) -> (0, 0)>
#map1 = affine_map<(d0, d1) -> (0)>
module attributes {stable_mosaic.version = 14 : i64} {
  func.func @_deg_kernel(%arg0: i32, %arg1: i32, %arg2: memref<2560x128xi32, #tpu.memory_space<hbm>>, %arg3: memref<10240xf32, #tpu.memory_space<hbm>>, %arg4: memref<2x10240xf32, #tpu.memory_space<hbm>>, %arg5: memref<80x128xi32, #tpu.memory_space<vmem>>, %arg6: memref<128xf32, #tpu.memory_space<vmem>>, %arg7: memref<10240xf32, #tpu.memory_space<vmem_shared>>) attributes {dimension_semantics = [#tpu.dimension_semantics<core_parallel>, #tpu.dimension_semantics<subcore_parallel>], iteration_bounds = array<i64: 2, 16>, scalar_prefetch = 0 : i64, scratch_operands = 3 : i64, tpu.core_type = #tpu.core_type<sc_vector_subcore>, window_params = [{transform_indices = #map}, {transform_indices = #map1}, {transform_indices = #map}]} {
    %mul3A = arith.constant 2 : i32
    %mul3A_0 = arith.muli %arg1, %mul3A : i32
    %add3A = arith.addi %mul3A_0, %arg0 : i32
    %mul3A_1 = arith.constant 80 : i32
    %mul3A_2 = arith.muli %add3A, %mul3A_1 : i32
    "tpu.region"() ({
      %run_scoped3A = tpu.sem_alloc : memref<!tpu.dma_semaphore, #tpu.memory_space<semaphore_mem>>
      %dma_start3A = arith.constant 0 : i32
      %dma_start3A_57 = tpu.memref_slice %arg2[%mul3A_2, %dma_start3A] : memref<2560x128xi32, #tpu.memory_space<hbm>> -> memref<80x128xi32, #tpu.memory_space<hbm>>
      %dma_start3A_58 = arith.constant 0 : i32
      %dma_start3A_59 = tpu.memref_slice %arg2[%mul3A_2, %dma_start3A_58] : memref<2560x128xi32, #tpu.memory_space<hbm>> -> memref<80x128xi32, #tpu.memory_space<hbm>>
      tpu.enqueue_dma source(%dma_start3A_59 : memref<80x128xi32, #tpu.memory_space<hbm>>) target(%arg5 : memref<80x128xi32, #tpu.memory_space<vmem>>) target_semaphore(%run_scoped3A : memref<!tpu.dma_semaphore, #tpu.memory_space<semaphore_mem>>)
      %dma_wait3A = arith.constant 0 : i32
      %dma_wait3A_60 = tpu.memref_slice %arg2[%mul3A_2, %dma_wait3A] : memref<2560x128xi32, #tpu.memory_space<hbm>> -> memref<80x128xi32, #tpu.memory_space<hbm>>
      %dma_wait3A_61 = arith.constant 0 : i32
      %dma_wait3A_62 = tpu.memref_slice %arg2[%mul3A_2, %dma_wait3A_61] : memref<2560x128xi32, #tpu.memory_space<hbm>> -> memref<80x128xi32, #tpu.memory_space<hbm>>
      tpu.wait_dma2 semaphore(%run_scoped3A : memref<!tpu.dma_semaphore, #tpu.memory_space<semaphore_mem>>) src(%dma_wait3A_62 : memref<80x128xi32, #tpu.memory_space<hbm>>) dst(%arg5 : memref<80x128xi32, #tpu.memory_space<vmem>>)
      tpu.yield
    }) : () -> ()
    %broadcast_in_dim3A = arith.constant 1.000000e+00 : f32
    %broadcast_in_dim3A_3 = vector.broadcast %broadcast_in_dim3A : f32 to vector<16xf32>
    %swap3A = arith.constant 0 : index
    %swap3A_4 = tpu.vector_load %arg6[%swap3A] {strides = array<i32>} : memref<128xf32, #tpu.memory_space<vmem>>, vector<16xf32>,
    %swap3A_5 = vector.shape_cast %swap3A_4 : vector<16xf32> to vector<16xf32>
    %swap3A_6 = vector.shape_cast %broadcast_in_dim3A_3 : vector<16xf32> to vector<16xf32>
    tpu.vector_store %arg6[%swap3A], %swap3A_6 {strides = array<i32>} : memref<128xf32, #tpu.memory_space<vmem>>, vector<16xf32>,
    %broadcast_in_dim3A_7 = arith.constant 1.000000e+00 : f32
    %broadcast_in_dim3A_8 = vector.broadcast %broadcast_in_dim3A_7 : f32 to vector<16xf32>
    %swap3A_9 = arith.constant 16 : index
    %swap3A_10 = tpu.vector_load %arg6[%swap3A_9] {strides = array<i32>} : memref<128xf32, #tpu.memory_space<vmem>>, vector<16xf32>,
    %swap3A_11 = vector.shape_cast %swap3A_10 : vector<16xf32> to vector<16xf32>
    %swap3A_12 = vector.shape_cast %broadcast_in_dim3A_8 : vector<16xf32> to vector<16xf32>
    tpu.vector_store %arg6[%swap3A_9], %swap3A_12 {strides = array<i32>} : memref<128xf32, #tpu.memory_space<vmem>>, vector<16xf32>,
    %broadcast_in_dim3A_13 = arith.constant 1.000000e+00 : f32
    %broadcast_in_dim3A_14 = vector.broadcast %broadcast_in_dim3A_13 : f32 to vector<16xf32>
    %swap3A_15 = arith.constant 32 : index
    %swap3A_16 = tpu.vector_load %arg6[%swap3A_15] {strides = array<i32>} : memref<128xf32, #tpu.memory_space<vmem>>, vector<16xf32>,
    %swap3A_17 = vector.shape_cast %swap3A_16 : vector<16xf32> to vector<16xf32>
    %swap3A_18 = vector.shape_cast %broadcast_in_dim3A_14 : vector<16xf32> to vector<16xf32>
    tpu.vector_store %arg6[%swap3A_15], %swap3A_18 {strides = array<i32>} : memref<128xf32, #tpu.memory_space<vmem>>, vector<16xf32>,
    %broadcast_in_dim3A_19 = arith.constant 1.000000e+00 : f32
    %broadcast_in_dim3A_20 = vector.broadcast %broadcast_in_dim3A_19 : f32 to vector<16xf32>
    %swap3A_21 = arith.constant 48 : index
    %swap3A_22 = tpu.vector_load %arg6[%swap3A_21] {strides = array<i32>} : memref<128xf32, #tpu.memory_space<vmem>>, vector<16xf32>,
    %swap3A_23 = vector.shape_cast %swap3A_22 : vector<16xf32> to vector<16xf32>
    %swap3A_24 = vector.shape_cast %broadcast_in_dim3A_20 : vector<16xf32> to vector<16xf32>
    tpu.vector_store %arg6[%swap3A_21], %swap3A_24 {strides = array<i32>} : memref<128xf32, #tpu.memory_space<vmem>>, vector<16xf32>,
    %broadcast_in_dim3A_25 = arith.constant 1.000000e+00 : f32
    %broadcast_in_dim3A_26 = vector.broadcast %broadcast_in_dim3A_25 : f32 to vector<16xf32>
    %swap3A_27 = arith.constant 64 : index
    %swap3A_28 = tpu.vector_load %arg6[%swap3A_27] {strides = array<i32>} : memref<128xf32, #tpu.memory_space<vmem>>, vector<16xf32>,
    %swap3A_29 = vector.shape_cast %swap3A_28 : vector<16xf32> to vector<16xf32>
    %swap3A_30 = vector.shape_cast %broadcast_in_dim3A_26 : vector<16xf32> to vector<16xf32>
    tpu.vector_store %arg6[%swap3A_27], %swap3A_30 {strides = array<i32>} : memref<128xf32, #tpu.memory_space<vmem>>, vector<16xf32>,
    %broadcast_in_dim3A_31 = arith.constant 1.000000e+00 : f32
    %broadcast_in_dim3A_32 = vector.broadcast %broadcast_in_dim3A_31 : f32 to vector<16xf32>
    %swap3A_33 = arith.constant 80 : index
    %swap3A_34 = tpu.vector_load %arg6[%swap3A_33] {strides = array<i32>} : memref<128xf32, #tpu.memory_space<vmem>>, vector<16xf32>,
    %swap3A_35 = vector.shape_cast %swap3A_34 : vector<16xf32> to vector<16xf32>
    %swap3A_36 = vector.shape_cast %broadcast_in_dim3A_32 : vector<16xf32> to vector<16xf32>
    tpu.vector_store %arg6[%swap3A_33], %swap3A_36 {strides = array<i32>} : memref<128xf32, #tpu.memory_space<vmem>>, vector<16xf32>,
    %broadcast_in_dim3A_37 = arith.constant 1.000000e+00 : f32
    %broadcast_in_dim3A_38 = vector.broadcast %broadcast_in_dim3A_37 : f32 to vector<16xf32>
    %swap3A_39 = arith.constant 96 : index
    %swap3A_40 = tpu.vector_load %arg6[%swap3A_39] {strides = array<i32>} : memref<128xf32, #tpu.memory_space<vmem>>, vector<16xf32>,
    %swap3A_41 = vector.shape_cast %swap3A_40 : vector<16xf32> to vector<16xf32>
    %swap3A_42 = vector.shape_cast %broadcast_in_dim3A_38 : vector<16xf32> to vector<16xf32>
    tpu.vector_store %arg6[%swap3A_39], %swap3A_42 {strides = array<i32>} : memref<128xf32, #tpu.memory_space<vmem>>, vector<16xf32>,
    %broadcast_in_dim3A_43 = arith.constant 1.000000e+00 : f32
    %broadcast_in_dim3A_44 = vector.broadcast %broadcast_in_dim3A_43 : f32 to vector<16xf32>
    %swap3A_45 = arith.constant 112 : index
    %swap3A_46 = tpu.vector_load %arg6[%swap3A_45] {strides = array<i32>} : memref<128xf32, #tpu.memory_space<vmem>>, vector<16xf32>,
    %swap3A_47 = vector.shape_cast %swap3A_46 : vector<16xf32> to vector<16xf32>
    %swap3A_48 = vector.shape_cast %broadcast_in_dim3A_44 : vector<16xf32> to vector<16xf32>
    tpu.vector_store %arg6[%swap3A_45], %swap3A_48 {strides = array<i32>} : memref<128xf32, #tpu.memory_space<vmem>>, vector<16xf32>,
    %mul3A_49 = arith.constant 640 : i32
    %mul3A_50 = arith.muli %arg1, %mul3A_49 : i32
    "tpu.region"() ({
      %run_scoped3A = tpu.sem_alloc : memref<!tpu.dma_semaphore, #tpu.memory_space<semaphore_mem>>
      %dma_start3A = tpu.memref_slice %arg7[%mul3A_50] : memref<10240xf32, #tpu.memory_space<vmem_shared>> -> memref<640xf32, #tpu.memory_space<vmem_shared>>
      %dma_start3A_57 = tpu.memref_slice %arg3[%mul3A_50] : memref<10240xf32, #tpu.memory_space<hbm>> -> memref<640xf32, #tpu.memory_space<hbm>>
      tpu.enqueue_dma source(%dma_start3A_57 : memref<640xf32, #tpu.memory_space<hbm>>) target(%dma_start3A : memref<640xf32, #tpu.memory_space<vmem_shared>>) target_semaphore(%run_scoped3A : memref<!tpu.dma_semaphore, #tpu.memory_space<semaphore_mem>>)
      %dma_wait3A = tpu.memref_slice %arg7[%mul3A_50] : memref<10240xf32, #tpu.memory_space<vmem_shared>> -> memref<640xf32, #tpu.memory_space<vmem_shared>>
      %dma_wait3A_58 = tpu.memref_slice %arg3[%mul3A_50] : memref<10240xf32, #tpu.memory_space<hbm>> -> memref<640xf32, #tpu.memory_space<hbm>>
      tpu.wait_dma2 semaphore(%run_scoped3A : memref<!tpu.dma_semaphore, #tpu.memory_space<semaphore_mem>>) src(%dma_wait3A_58 : memref<640xf32, #tpu.memory_space<hbm>>) dst(%dma_wait3A : memref<640xf32, #tpu.memory_space<vmem_shared>>)
      tpu.yield
    }) : () -> ()
    %barrier3A = arith.constant 0 : index
    tpu.barrier barrier_id(%barrier3A)
    %scan3A = arith.constant 0 : i32
    %scan3A_51 = arith.constant 0 : i32
    %scan3A_52 = arith.constant 80 : i32
    %scan3A_53 = arith.addi %scan3A_51, %scan3A_52 : i32
    %scan3A_54 = arith.constant 1 : i32
    scf.for %scan3A_57 = %scan3A_51 to %scan3A_53 step %scan3A_54  : i32 {
      "tpu.region"() ({
        %run_scoped3A = tpu.sem_alloc : memref<!tpu.dma_semaphore, #tpu.memory_space<semaphore_mem>>
        %dma_start3A = arith.constant 0 : i32
        %dma_start3A_58 = tpu.memref_slice %arg5[%scan3A_57, %dma_start3A] : memref<80x128xi32, #tpu.memory_space<vmem>> -> memref<1x128xi32, #tpu.memory_space<vmem>>
        %dma_start3A_59 = tpu.memref_squeeze %dma_start3A_58 : memref<1x128xi32, #tpu.memory_space<vmem>> -> memref<128xi32, #tpu.memory_space<vmem>>
        %dma_start3A_60 = arith.constant 0 : i32
        %dma_start3A_61 = tpu.memref_slice %arg7[%dma_start3A_60] : memref<10240xf32, #tpu.memory_space<vmem_shared>> -> memref<10240xf32, #tpu.memory_space<vmem_shared>>
        tpu.enqueue_indirect_dma source(%arg6 : memref<128xf32, #tpu.memory_space<vmem>>) target(%dma_start3A_61 : memref<10240xf32, #tpu.memory_space<vmem_shared>>) offsets(%dma_start3A_59 : memref<128xi32, #tpu.memory_space<vmem>>) semaphore(%run_scoped3A : memref<!tpu.dma_semaphore, #tpu.memory_space<semaphore_mem>>) {add = true}
        %dma_wait3A = arith.constant 0 : i32
        %dma_wait3A_62 = tpu.memref_slice %arg5[%scan3A_57, %dma_wait3A] : memref<80x128xi32, #tpu.memory_space<vmem>> -> memref<1x128xi32, #tpu.memory_space<vmem>>
        %dma_wait3A_63 = tpu.memref_squeeze %dma_wait3A_62 : memref<1x128xi32, #tpu.memory_space<vmem>> -> memref<128xi32, #tpu.memory_space<vmem>>
        %dma_wait3A_64 = arith.constant 0 : i32
        %dma_wait3A_65 = tpu.memref_slice %arg7[%dma_wait3A_64] : memref<10240xf32, #tpu.memory_space<vmem_shared>> -> memref<10240xf32, #tpu.memory_space<vmem_shared>>
        tpu.wait_indirect_dma semaphore(%run_scoped3A : memref<!tpu.dma_semaphore, #tpu.memory_space<semaphore_mem>>) src(%arg6 : memref<128xf32, #tpu.memory_space<vmem>>) dst(%dma_wait3A_65 : memref<10240xf32, #tpu.memory_space<vmem_shared>>)
        tpu.yield
      }) : () -> ()
    }
    %scan3A_55 = arith.constant 80 : i32
    %barrier3A_56 = arith.constant 0 : index
    tpu.barrier barrier_id(%barrier3A_56)
    "tpu.region"() ({
      %run_scoped3A = tpu.sem_alloc : memref<!tpu.dma_semaphore, #tpu.memory_space<semaphore_mem>>
      %dma_start3A = tpu.memref_slice %arg4[%arg0, %mul3A_50] : memref<2x10240xf32, #tpu.memory_space<hbm>> -> memref<1x640xf32, #tpu.memory_space<hbm>>
      %dma_start3A_57 = tpu.memref_squeeze %dma_start3A : memref<1x640xf32, #tpu.memory_space<hbm>> -> memref<640xf32, #tpu.memory_space<hbm>>
      %dma_start3A_58 = tpu.memref_slice %arg7[%mul3A_50] : memref<10240xf32, #tpu.memory_space<vmem_shared>> -> memref<640xf32, #tpu.memory_space<vmem_shared>>
      tpu.enqueue_dma source(%dma_start3A_58 : memref<640xf32, #tpu.memory_space<vmem_shared>>) target(%dma_start3A_57 : memref<640xf32, #tpu.memory_space<hbm>>) target_semaphore(%run_scoped3A : memref<!tpu.dma_semaphore, #tpu.memory_space<semaphore_mem>>)
      %dma_wait3A = tpu.memref_slice %arg4[%arg0, %mul3A_50] : memref<2x10240xf32, #tpu.memory_space<hbm>> -> memref<1x640xf32, #tpu.memory_space<hbm>>
      %dma_wait3A_59 = tpu.memref_squeeze %dma_wait3A : memref<1x640xf32, #tpu.memory_space<hbm>> -> memref<640xf32, #tpu.memory_space<hbm>>
      %dma_wait3A_60 = tpu.memref_slice %arg7[%mul3A_50] : memref<10240xf32, #tpu.memory_space<vmem_shared>> -> memref<640xf32, #tpu.memory_space<vmem_shared>>
      tpu.wait_dma2 semaphore(%run_scoped3A : memref<!tpu.dma_semaphore, #tpu.memory_space<semaphore_mem>>) src(%dma_wait3A_60 : memref<640xf32, #tpu.memory_space<vmem_shared>>) dst(%dma_wait3A_59 : memref<640xf32, #tpu.memory_space<hbm>>)
      tpu.yield
    }) : () -> ()
    return
  }
}

#map = affine_map<(d0, d1) -> (0, 0)>
#map1 = affine_map<(d0, d1) -> (0, 0, 0)>
module attributes {stable_mosaic.version = 14 : i64} {
  func.func @_agg_kernel(%arg0: i32, %arg1: i32, %arg2: memref<2560x128xi32, #tpu.memory_space<hbm>>, %arg3: memref<2560x128xi32, #tpu.memory_space<hbm>>, %arg4: memref<10240x128xf32, #tpu.memory_space<hbm>>, %arg5: memref<10240x128xf32, #tpu.memory_space<hbm>>, %arg6: memref<2x10240x128xf32, #tpu.memory_space<hbm>>, %arg7: memref<8x128xi32, #tpu.memory_space<vmem>>, %arg8: memref<8x128xi32, #tpu.memory_space<vmem>>, %arg9: memref<128x128xf32, #tpu.memory_space<vmem>>, %arg10: memref<128x128xf32, #tpu.memory_space<vmem>>, %arg11: memref<10240x128xf32, #tpu.memory_space<vmem_shared>>, %arg12: memref<!tpu.dma_semaphore, #tpu.memory_space<semaphore_mem>>, %arg13: memref<!tpu.dma_semaphore, #tpu.memory_space<semaphore_mem>>) attributes {dimension_semantics = [#tpu.dimension_semantics<core_parallel>, #tpu.dimension_semantics<subcore_parallel>], iteration_bounds = array<i64: 2, 16>, scalar_prefetch = 0 : i64, scratch_operands = 7 : i64, tpu.core_type = #tpu.core_type<sc_vector_subcore>, window_params = [{transform_indices = #map}, {transform_indices = #map}, {transform_indices = #map}, {transform_indices = #map}, {transform_indices = #map1}]} {
    %mul3A = arith.constant 640 : i32
    %mul3A_0 = arith.muli %arg1, %mul3A : i32
    "tpu.region"() ({
      %run_scoped3A = tpu.sem_alloc : memref<!tpu.dma_semaphore, #tpu.memory_space<semaphore_mem>>
      %dma_start3A = arith.constant 0 : i32
      %dma_start3A_39 = tpu.memref_slice %arg11[%mul3A_0, %dma_start3A] : memref<10240x128xf32, #tpu.memory_space<vmem_shared>> -> memref<640x128xf32, #tpu.memory_space<vmem_shared>>
      %dma_start3A_40 = arith.constant 0 : i32
      %dma_start3A_41 = tpu.memref_slice %arg5[%mul3A_0, %dma_start3A_40] : memref<10240x128xf32, #tpu.memory_space<hbm>> -> memref<640x128xf32, #tpu.memory_space<hbm>>
      tpu.enqueue_dma source(%dma_start3A_41 : memref<640x128xf32, #tpu.memory_space<hbm>>) target(%dma_start3A_39 : memref<640x128xf32, #tpu.memory_space<vmem_shared>>) target_semaphore(%run_scoped3A : memref<!tpu.dma_semaphore, #tpu.memory_space<semaphore_mem>>)
      %dma_wait3A = arith.constant 0 : i32
      %dma_wait3A_42 = tpu.memref_slice %arg11[%mul3A_0, %dma_wait3A] : memref<10240x128xf32, #tpu.memory_space<vmem_shared>> -> memref<640x128xf32, #tpu.memory_space<vmem_shared>>
      %dma_wait3A_43 = arith.constant 0 : i32
      %dma_wait3A_44 = tpu.memref_slice %arg5[%mul3A_0, %dma_wait3A_43] : memref<10240x128xf32, #tpu.memory_space<hbm>> -> memref<640x128xf32, #tpu.memory_space<hbm>>
      tpu.wait_dma2 semaphore(%run_scoped3A : memref<!tpu.dma_semaphore, #tpu.memory_space<semaphore_mem>>) src(%dma_wait3A_44 : memref<640x128xf32, #tpu.memory_space<hbm>>) dst(%dma_wait3A_42 : memref<640x128xf32, #tpu.memory_space<vmem_shared>>)
      tpu.yield
    }) : () -> ()
    %barrier3A = arith.constant 0 : index
    tpu.barrier barrier_id(%barrier3A)
    %eq3A = arith.constant 0 : i32
    %eq3A_1 = arith.cmpi eq, %arg0, %eq3A : i32
    %jit3A = arith.constant 120 : i32
    %jit3A_2 = arith.constant 40 : i32
    %select_n3A = arith.select %eq3A_1, %jit3A, %jit3A_2 : i32
    %eq3A_3 = arith.constant 0 : i32
    %eq3A_4 = arith.cmpi eq, %arg0, %eq3A_3 : i32
    %mul3A_5 = arith.constant 120 : i32
    %mul3A_6 = arith.muli %arg1, %mul3A_5 : i32
    %mul3A_7 = arith.constant 40 : i32
    %mul3A_8 = arith.muli %arg1, %mul3A_7 : i32
    %add3A = arith.constant 1920 : i32
    %add3A_9 = arith.addi %add3A, %mul3A_8 : i32
    %select_n3A_10 = arith.select %eq3A_4, %mul3A_6, %add3A_9 : i32
    %jit3A_11 = arith.constant 8 : i32
    %div3A = arith.divsi %select_n3A, %jit3A_11 : i32
    %sign3A = arith.constant 0 : i32
    %sign3A_12 = arith.cmpi sgt, %select_n3A, %sign3A : i32
    %sign3A_13 = arith.extui %sign3A_12 : i1 to i32
    %sign3A_14 = arith.constant 0 : i32
    %sign3A_15 = arith.cmpi slt, %select_n3A, %sign3A_14 : i32
    %sign3A_16 = arith.extui %sign3A_15 : i1 to i32
    %sign3A_17 = arith.subi %sign3A_13, %sign3A_16 : i32
    %sign3A_18 = arith.constant 0 : i32
    %sign3A_19 = arith.cmpi sgt, %jit3A_11, %sign3A_18 : i32
    %sign3A_20 = arith.extui %sign3A_19 : i1 to i32
    %sign3A_21 = arith.constant 0 : i32
    %sign3A_22 = arith.cmpi slt, %jit3A_11, %sign3A_21 : i32
    %sign3A_23 = arith.extui %sign3A_22 : i1 to i32
    %sign3A_24 = arith.subi %sign3A_20, %sign3A_23 : i32
    %ne3A = arith.cmpi ne, %sign3A_17, %sign3A_24 : i32
    %rem3A = arith.remsi %select_n3A, %jit3A_11 : i32
    %ne3A_25 = arith.constant 0 : i32
    %ne3A_26 = arith.cmpi ne, %rem3A, %ne3A_25 : i32
    %and3A = arith.andi %ne3A, %ne3A_26 : i1
    %sub3A = arith.constant 1 : i32
    %sub3A_27 = arith.subi %div3A, %sub3A : i32
    %select_n3A_28 = arith.select %and3A, %sub3A_27, %div3A : i32
    %while3A = arith.constant 0 : i32
    %while3A_29 = arith.constant 0 : i32
    %while3A_30 = arith.subi %select_n3A_28, %while3A_29 : i32
    %while3A_31 = arith.addi %while3A_29, %while3A_30 : i32
    %while3A_32 = arith.constant 1 : i32
    %while3A_33 = arith.divsi %while3A_30, %while3A_32 : i32
    %while3A_34 = arith.muli %while3A_33, %while3A_32 : i32
    %while3A_35 = arith.addi %while3A_29, %while3A_34 : i32
    %while3A_36 = arith.constant 1 : i32
    scf.for %while3A_39 = %while3A_29 to %while3A_35 step %while3A_36  : i32 {
      %mul3A_40 = arith.constant 8 : i32
      %mul3A_41 = arith.muli %while3A_39, %mul3A_40 : i32
      %add3A_42 = arith.addi %select_n3A_10, %mul3A_41 : i32
      "tpu.region"() ({
        %run_scoped3A = tpu.sem_alloc : memref<!tpu.dma_semaphore, #tpu.memory_space<semaphore_mem>>
        %dma_start3A_54 = arith.constant 0 : i32
        %dma_start3A_55 = tpu.memref_slice %arg2[%add3A_42, %dma_start3A_54] : memref<2560x128xi32, #tpu.memory_space<hbm>> -> memref<8x128xi32, #tpu.memory_space<hbm>>
        %dma_start3A_56 = arith.constant 0 : i32
        %dma_start3A_57 = tpu.memref_slice %arg2[%add3A_42, %dma_start3A_56] : memref<2560x128xi32, #tpu.memory_space<hbm>> -> memref<8x128xi32, #tpu.memory_space<hbm>>
        tpu.enqueue_dma source(%dma_start3A_57 : memref<8x128xi32, #tpu.memory_space<hbm>>) target(%arg7 : memref<8x128xi32, #tpu.memory_space<vmem>>) target_semaphore(%run_scoped3A : memref<!tpu.dma_semaphore, #tpu.memory_space<semaphore_mem>>)
        %dma_wait3A = arith.constant 0 : i32
        %dma_wait3A_58 = tpu.memref_slice %arg2[%add3A_42, %dma_wait3A] : memref<2560x128xi32, #tpu.memory_space<hbm>> -> memref<8x128xi32, #tpu.memory_space<hbm>>
        %dma_wait3A_59 = arith.constant 0 : i32
        %dma_wait3A_60 = tpu.memref_slice %arg2[%add3A_42, %dma_wait3A_59] : memref<2560x128xi32, #tpu.memory_space<hbm>> -> memref<8x128xi32, #tpu.memory_space<hbm>>
        tpu.wait_dma2 semaphore(%run_scoped3A : memref<!tpu.dma_semaphore, #tpu.memory_space<semaphore_mem>>) src(%dma_wait3A_60 : memref<8x128xi32, #tpu.memory_space<hbm>>) dst(%arg7 : memref<8x128xi32, #tpu.memory_space<vmem>>)
        tpu.yield
      }) : () -> ()
      "tpu.region"() ({
        %run_scoped3A = tpu.sem_alloc : memref<!tpu.dma_semaphore, #tpu.memory_space<semaphore_mem>>
        %dma_start3A_54 = arith.constant 0 : i32
        %dma_start3A_55 = tpu.memref_slice %arg3[%add3A_42, %dma_start3A_54] : memref<2560x128xi32, #tpu.memory_space<hbm>> -> memref<8x128xi32, #tpu.memory_space<hbm>>
        %dma_start3A_56 = arith.constant 0 : i32
        %dma_start3A_57 = tpu.memref_slice %arg3[%add3A_42, %dma_start3A_56] : memref<2560x128xi32, #tpu.memory_space<hbm>> -> memref<8x128xi32, #tpu.memory_space<hbm>>
        tpu.enqueue_dma source(%dma_start3A_57 : memref<8x128xi32, #tpu.memory_space<hbm>>) target(%arg8 : memref<8x128xi32, #tpu.memory_space<vmem>>) target_semaphore(%run_scoped3A : memref<!tpu.dma_semaphore, #tpu.memory_space<semaphore_mem>>)
        %dma_wait3A = arith.constant 0 : i32
        %dma_wait3A_58 = tpu.memref_slice %arg3[%add3A_42, %dma_wait3A] : memref<2560x128xi32, #tpu.memory_space<hbm>> -> memref<8x128xi32, #tpu.memory_space<hbm>>
        %dma_wait3A_59 = arith.constant 0 : i32
        %dma_wait3A_60 = tpu.memref_slice %arg3[%add3A_42, %dma_wait3A_59] : memref<2560x128xi32, #tpu.memory_space<hbm>> -> memref<8x128xi32, #tpu.memory_space<hbm>>
        tpu.wait_dma2 semaphore(%run_scoped3A : memref<!tpu.dma_semaphore, #tpu.memory_space<semaphore_mem>>) src(%dma_wait3A_60 : memref<8x128xi32, #tpu.memory_space<hbm>>) dst(%arg8 : memref<8x128xi32, #tpu.memory_space<vmem>>)
        tpu.yield
      }) : () -> ()
      %dma_start3A = arith.constant 0 : i32
      %dma_start3A_43 = arith.constant 0 : i32
      %dma_start3A_44 = tpu.memref_slice %arg7[%dma_start3A, %dma_start3A_43] : memref<8x128xi32, #tpu.memory_space<vmem>> -> memref<1x128xi32, #tpu.memory_space<vmem>>
      %dma_start3A_45 = tpu.memref_squeeze %dma_start3A_44 : memref<1x128xi32, #tpu.memory_space<vmem>> -> memref<128xi32, #tpu.memory_space<vmem>>
      %dma_start3A_46 = arith.constant 0 : i32
      %dma_start3A_47 = arith.constant 0 : i32
      %dma_start3A_48 = tpu.memref_slice %arg4[%dma_start3A_46, %dma_start3A_47] : memref<10240x128xf32, #tpu.memory_space<hbm>> -> memref<10240x128xf32, #tpu.memory_space<hbm>>
      tpu.enqueue_indirect_dma source(%dma_start3A_48 : memref<10240x128xf32, #tpu.memory_space<hbm>>) target(%arg9 : memref<128x128xf32, #tpu.memory_space<vmem>>) offsets(%dma_start3A_45 : memref<128xi32, #tpu.memory_space<vmem>>) semaphore(%arg12 : memref<!tpu.dma_semaphore, #tpu.memory_space<semaphore_mem>>)
      %scan3A = arith.constant 0 : i32
      %scan3A_49 = arith.constant 0 : i32
      %scan3A_50 = arith.constant 4 : i32
      %scan3A_51 = arith.addi %scan3A_49, %scan3A_50 : i32
      %scan3A_52 = arith.constant 1 : i32
      scf.for %scan3A_54 = %scan3A_49 to %scan3A_51 step %scan3A_52  : i32 {
        %mul3A_55 = arith.constant 2 : i32
        %mul3A_56 = arith.muli %mul3A_55, %scan3A_54 : i32
        %add3A_57 = arith.constant 1 : i32
        %add3A_58 = arith.addi %mul3A_56, %add3A_57 : i32
        %dma_wait3A = arith.constant 0 : i32
        %dma_wait3A_59 = tpu.memref_slice %arg7[%mul3A_56, %dma_wait3A] : memref<8x128xi32, #tpu.memory_space<vmem>> -> memref<1x128xi32, #tpu.memory_space<vmem>>
        %dma_wait3A_60 = tpu.memref_squeeze %dma_wait3A_59 : memref<1x128xi32, #tpu.memory_space<vmem>> -> memref<128xi32, #tpu.memory_space<vmem>>
        %dma_wait3A_61 = arith.constant 0 : i32
        %dma_wait3A_62 = arith.constant 0 : i32
        %dma_wait3A_63 = tpu.memref_slice %arg4[%dma_wait3A_61, %dma_wait3A_62] : memref<10240x128xf32, #tpu.memory_space<hbm>> -> memref<10240x128xf32, #tpu.memory_space<hbm>>
        tpu.wait_indirect_dma semaphore(%arg12 : memref<!tpu.dma_semaphore, #tpu.memory_space<semaphore_mem>>) src(%dma_wait3A_63 : memref<10240x128xf32, #tpu.memory_space<hbm>>) dst(%arg9 : memref<128x128xf32, #tpu.memory_space<vmem>>)
        %dma_start3A_64 = arith.constant 0 : i32
        %dma_start3A_65 = tpu.memref_slice %arg7[%add3A_58, %dma_start3A_64] : memref<8x128xi32, #tpu.memory_space<vmem>> -> memref<1x128xi32, #tpu.memory_space<vmem>>
        %dma_start3A_66 = tpu.memref_squeeze %dma_start3A_65 : memref<1x128xi32, #tpu.memory_space<vmem>> -> memref<128xi32, #tpu.memory_space<vmem>>
        %dma_start3A_67 = arith.constant 0 : i32
        %dma_start3A_68 = arith.constant 0 : i32
        %dma_start3A_69 = tpu.memref_slice %arg4[%dma_start3A_67, %dma_start3A_68] : memref<10240x128xf32, #tpu.memory_space<hbm>> -> memref<10240x128xf32, #tpu.memory_space<hbm>>
        tpu.enqueue_indirect_dma source(%dma_start3A_69 : memref<10240x128xf32, #tpu.memory_space<hbm>>) target(%arg10 : memref<128x128xf32, #tpu.memory_space<vmem>>) offsets(%dma_start3A_66 : memref<128xi32, #tpu.memory_space<vmem>>) semaphore(%arg13 : memref<!tpu.dma_semaphore, #tpu.memory_space<semaphore_mem>>)
        "tpu.region"() ({
          %run_scoped3A = tpu.sem_alloc : memref<!tpu.dma_semaphore, #tpu.memory_space<semaphore_mem>>
          %dma_start3A_78 = arith.constant 0 : i32
          %dma_start3A_79 = tpu.memref_slice %arg8[%mul3A_56, %dma_start3A_78] : memref<8x128xi32, #tpu.memory_space<vmem>> -> memref<1x128xi32, #tpu.memory_space<vmem>>
          %dma_start3A_80 = tpu.memref_squeeze %dma_start3A_79 : memref<1x128xi32, #tpu.memory_space<vmem>> -> memref<128xi32, #tpu.memory_space<vmem>>
          %dma_start3A_81 = arith.constant 0 : i32
          %dma_start3A_82 = arith.constant 0 : i32
          %dma_start3A_83 = tpu.memref_slice %arg11[%dma_start3A_81, %dma_start3A_82] : memref<10240x128xf32, #tpu.memory_space<vmem_shared>> -> memref<10240x128xf32, #tpu.memory_space<vmem_shared>>
          tpu.enqueue_indirect_dma source(%arg9 : memref<128x128xf32, #tpu.memory_space<vmem>>) target(%dma_start3A_83 : memref<10240x128xf32, #tpu.memory_space<vmem_shared>>) offsets(%dma_start3A_80 : memref<128xi32, #tpu.memory_space<vmem>>) semaphore(%run_scoped3A : memref<!tpu.dma_semaphore, #tpu.memory_space<semaphore_mem>>) {add = true}
          %dma_wait3A_84 = arith.constant 0 : i32
          %dma_wait3A_85 = tpu.memref_slice %arg8[%mul3A_56, %dma_wait3A_84] : memref<8x128xi32, #tpu.memory_space<vmem>> -> memref<1x128xi32, #tpu.memory_space<vmem>>
          %dma_wait3A_86 = tpu.memref_squeeze %dma_wait3A_85 : memref<1x128xi32, #tpu.memory_space<vmem>> -> memref<128xi32, #tpu.memory_space<vmem>>
          %dma_wait3A_87 = arith.constant 0 : i32
          %dma_wait3A_88 = arith.constant 0 : i32
          %dma_wait3A_89 = tpu.memref_slice %arg11[%dma_wait3A_87, %dma_wait3A_88] : memref<10240x128xf32, #tpu.memory_space<vmem_shared>> -> memref<10240x128xf32, #tpu.memory_space<vmem_shared>>
          tpu.wait_indirect_dma semaphore(%run_scoped3A : memref<!tpu.dma_semaphore, #tpu.memory_space<semaphore_mem>>) src(%arg9 : memref<128x128xf32, #tpu.memory_space<vmem>>) dst(%dma_wait3A_89 : memref<10240x128xf32, #tpu.memory_space<vmem_shared>>)
          tpu.yield
        }) : () -> ()
        %dma_wait3A_70 = arith.constant 0 : i32
        %dma_wait3A_71 = tpu.memref_slice %arg7[%add3A_58, %dma_wait3A_70] : memref<8x128xi32, #tpu.memory_space<vmem>> -> memref<1x128xi32, #tpu.memory_space<vmem>>
        %dma_wait3A_72 = tpu.memref_squeeze %dma_wait3A_71 : memref<1x128xi32, #tpu.memory_space<vmem>> -> memref<128xi32, #tpu.memory_space<vmem>>
        %dma_wait3A_73 = arith.constant 0 : i32
        %dma_wait3A_74 = arith.constant 0 : i32
        %dma_wait3A_75 = tpu.memref_slice %arg4[%dma_wait3A_73, %dma_wait3A_74] : memref<10240x128xf32, #tpu.memory_space<hbm>> -> memref<10240x128xf32, #tpu.memory_space<hbm>>
        tpu.wait_indirect_dma semaphore(%arg13 : memref<!tpu.dma_semaphore, #tpu.memory_space<semaphore_mem>>) src(%dma_wait3A_75 : memref<10240x128xf32, #tpu.memory_space<hbm>>) dst(%arg10 : memref<128x128xf32, #tpu.memory_space<vmem>>)
        %lt3A = arith.constant 3 : i32
        %lt3A_76 = arith.cmpi slt, %scan3A_54, %lt3A : i32
        %convert_element_type3A = arith.extui %lt3A_76 : i1 to i32
        %cond3A = arith.constant 0 : i32
        %cond3A_77 = arith.cmpi ne, %convert_element_type3A, %cond3A : i32
        scf.if %cond3A_77 {
          %add3A_78 = arith.constant 2 : i32
          %add3A_79 = arith.addi %mul3A_56, %add3A_78 : i32
          %dma_start3A_80 = arith.constant 0 : i32
          %dma_start3A_81 = tpu.memref_slice %arg7[%add3A_79, %dma_start3A_80] : memref<8x128xi32, #tpu.memory_space<vmem>> -> memref<1x128xi32, #tpu.memory_space<vmem>>
          %dma_start3A_82 = tpu.memref_squeeze %dma_start3A_81 : memref<1x128xi32, #tpu.memory_space<vmem>> -> memref<128xi32, #tpu.memory_space<vmem>>
          %dma_start3A_83 = arith.constant 0 : i32
          %dma_start3A_84 = arith.constant 0 : i32
          %dma_start3A_85 = tpu.memref_slice %arg4[%dma_start3A_83, %dma_start3A_84] : memref<10240x128xf32, #tpu.memory_space<hbm>> -> memref<10240x128xf32, #tpu.memory_space<hbm>>
          tpu.enqueue_indirect_dma source(%dma_start3A_85 : memref<10240x128xf32, #tpu.memory_space<hbm>>) target(%arg9 : memref<128x128xf32, #tpu.memory_space<vmem>>) offsets(%dma_start3A_82 : memref<128xi32, #tpu.memory_space<vmem>>) semaphore(%arg12 : memref<!tpu.dma_semaphore, #tpu.memory_space<semaphore_mem>>)
        } else {
        }
        "tpu.region"() ({
          %run_scoped3A = tpu.sem_alloc : memref<!tpu.dma_semaphore, #tpu.memory_space<semaphore_mem>>
          %dma_start3A_78 = arith.constant 0 : i32
          %dma_start3A_79 = tpu.memref_slice %arg8[%add3A_58, %dma_start3A_78] : memref<8x128xi32, #tpu.memory_space<vmem>> -> memref<1x128xi32, #tpu.memory_space<vmem>>
          %dma_start3A_80 = tpu.memref_squeeze %dma_start3A_79 : memref<1x128xi32, #tpu.memory_space<vmem>> -> memref<128xi32, #tpu.memory_space<vmem>>
          %dma_start3A_81 = arith.constant 0 : i32
          %dma_start3A_82 = arith.constant 0 : i32
          %dma_start3A_83 = tpu.memref_slice %arg11[%dma_start3A_81, %dma_start3A_82] : memref<10240x128xf32, #tpu.memory_space<vmem_shared>> -> memref<10240x128xf32, #tpu.memory_space<vmem_shared>>
          tpu.enqueue_indirect_dma source(%arg10 : memref<128x128xf32, #tpu.memory_space<vmem>>) target(%dma_start3A_83 : memref<10240x128xf32, #tpu.memory_space<vmem_shared>>) offsets(%dma_start3A_80 : memref<128xi32, #tpu.memory_space<vmem>>) semaphore(%run_scoped3A : memref<!tpu.dma_semaphore, #tpu.memory_space<semaphore_mem>>) {add = true}
          %dma_wait3A_84 = arith.constant 0 : i32
          %dma_wait3A_85 = tpu.memref_slice %arg8[%add3A_58, %dma_wait3A_84] : memref<8x128xi32, #tpu.memory_space<vmem>> -> memref<1x128xi32, #tpu.memory_space<vmem>>
          %dma_wait3A_86 = tpu.memref_squeeze %dma_wait3A_85 : memref<1x128xi32, #tpu.memory_space<vmem>> -> memref<128xi32, #tpu.memory_space<vmem>>
          %dma_wait3A_87 = arith.constant 0 : i32
          %dma_wait3A_88 = arith.constant 0 : i32
          %dma_wait3A_89 = tpu.memref_slice %arg11[%dma_wait3A_87, %dma_wait3A_88] : memref<10240x128xf32, #tpu.memory_space<vmem_shared>> -> memref<10240x128xf32, #tpu.memory_space<vmem_shared>>
          tpu.wait_indirect_dma semaphore(%run_scoped3A : memref<!tpu.dma_semaphore, #tpu.memory_space<semaphore_mem>>) src(%arg10 : memref<128x128xf32, #tpu.memory_space<vmem>>) dst(%dma_wait3A_89 : memref<10240x128xf32, #tpu.memory_space<vmem_shared>>)
          tpu.yield
        }) : () -> ()
      }
      %scan3A_53 = arith.constant 4 : i32
    }
    %while3A_37 = arith.constant 1 : i32
    scf.for %while3A_39 = %while3A_35 to %while3A_31 step %while3A_37  : i32 {
      %mul3A_40 = arith.constant 8 : i32
      %mul3A_41 = arith.muli %while3A_39, %mul3A_40 : i32
      %add3A_42 = arith.addi %select_n3A_10, %mul3A_41 : i32
      "tpu.region"() ({
        %run_scoped3A = tpu.sem_alloc : memref<!tpu.dma_semaphore, #tpu.memory_space<semaphore_mem>>
        %dma_start3A_54 = arith.constant 0 : i32
        %dma_start3A_55 = tpu.memref_slice %arg2[%add3A_42, %dma_start3A_54] : memref<2560x128xi32, #tpu.memory_space<hbm>> -> memref<8x128xi32, #tpu.memory_space<hbm>>
        %dma_start3A_56 = arith.constant 0 : i32
        %dma_start3A_57 = tpu.memref_slice %arg2[%add3A_42, %dma_start3A_56] : memref<2560x128xi32, #tpu.memory_space<hbm>> -> memref<8x128xi32, #tpu.memory_space<hbm>>
        tpu.enqueue_dma source(%dma_start3A_57 : memref<8x128xi32, #tpu.memory_space<hbm>>) target(%arg7 : memref<8x128xi32, #tpu.memory_space<vmem>>) target_semaphore(%run_scoped3A : memref<!tpu.dma_semaphore, #tpu.memory_space<semaphore_mem>>)
        %dma_wait3A = arith.constant 0 : i32
        %dma_wait3A_58 = tpu.memref_slice %arg2[%add3A_42, %dma_wait3A] : memref<2560x128xi32, #tpu.memory_space<hbm>> -> memref<8x128xi32, #tpu.memory_space<hbm>>
        %dma_wait3A_59 = arith.constant 0 : i32
        %dma_wait3A_60 = tpu.memref_slice %arg2[%add3A_42, %dma_wait3A_59] : memref<2560x128xi32, #tpu.memory_space<hbm>> -> memref<8x128xi32, #tpu.memory_space<hbm>>
        tpu.wait_dma2 semaphore(%run_scoped3A : memref<!tpu.dma_semaphore, #tpu.memory_space<semaphore_mem>>) src(%dma_wait3A_60 : memref<8x128xi32, #tpu.memory_space<hbm>>) dst(%arg7 : memref<8x128xi32, #tpu.memory_space<vmem>>)
        tpu.yield
      }) : () -> ()
      "tpu.region"() ({
        %run_scoped3A = tpu.sem_alloc : memref<!tpu.dma_semaphore, #tpu.memory_space<semaphore_mem>>
        %dma_start3A_54 = arith.constant 0 : i32
        %dma_start3A_55 = tpu.memref_slice %arg3[%add3A_42, %dma_start3A_54] : memref<2560x128xi32, #tpu.memory_space<hbm>> -> memref<8x128xi32, #tpu.memory_space<hbm>>
        %dma_start3A_56 = arith.constant 0 : i32
        %dma_start3A_57 = tpu.memref_slice %arg3[%add3A_42, %dma_start3A_56] : memref<2560x128xi32, #tpu.memory_space<hbm>> -> memref<8x128xi32, #tpu.memory_space<hbm>>
        tpu.enqueue_dma source(%dma_start3A_57 : memref<8x128xi32, #tpu.memory_space<hbm>>) target(%arg8 : memref<8x128xi32, #tpu.memory_space<vmem>>) target_semaphore(%run_scoped3A : memref<!tpu.dma_semaphore, #tpu.memory_space<semaphore_mem>>)
        %dma_wait3A = arith.constant 0 : i32
        %dma_wait3A_58 = tpu.memref_slice %arg3[%add3A_42, %dma_wait3A] : memref<2560x128xi32, #tpu.memory_space<hbm>> -> memref<8x128xi32, #tpu.memory_space<hbm>>
        %dma_wait3A_59 = arith.constant 0 : i32
        %dma_wait3A_60 = tpu.memref_slice %arg3[%add3A_42, %dma_wait3A_59] : memref<2560x128xi32, #tpu.memory_space<hbm>> -> memref<8x128xi32, #tpu.memory_space<hbm>>
        tpu.wait_dma2 semaphore(%run_scoped3A : memref<!tpu.dma_semaphore, #tpu.memory_space<semaphore_mem>>) src(%dma_wait3A_60 : memref<8x128xi32, #tpu.memory_space<hbm>>) dst(%arg8 : memref<8x128xi32, #tpu.memory_space<vmem>>)
        tpu.yield
      }) : () -> ()
      %dma_start3A = arith.constant 0 : i32
      %dma_start3A_43 = arith.constant 0 : i32
      %dma_start3A_44 = tpu.memref_slice %arg7[%dma_start3A, %dma_start3A_43] : memref<8x128xi32, #tpu.memory_space<vmem>> -> memref<1x128xi32, #tpu.memory_space<vmem>>
      %dma_start3A_45 = tpu.memref_squeeze %dma_start3A_44 : memref<1x128xi32, #tpu.memory_space<vmem>> -> memref<128xi32, #tpu.memory_space<vmem>>
      %dma_start3A_46 = arith.constant 0 : i32
      %dma_start3A_47 = arith.constant 0 : i32
      %dma_start3A_48 = tpu.memref_slice %arg4[%dma_start3A_46, %dma_start3A_47] : memref<10240x128xf32, #tpu.memory_space<hbm>> -> memref<10240x128xf32, #tpu.memory_space<hbm>>
      tpu.enqueue_indirect_dma source(%dma_start3A_48 : memref<10240x128xf32, #tpu.memory_space<hbm>>) target(%arg9 : memref<128x128xf32, #tpu.memory_space<vmem>>) offsets(%dma_start3A_45 : memref<128xi32, #tpu.memory_space<vmem>>) semaphore(%arg12 : memref<!tpu.dma_semaphore, #tpu.memory_space<semaphore_mem>>)
      %scan3A = arith.constant 0 : i32
      %scan3A_49 = arith.constant 0 : i32
      %scan3A_50 = arith.constant 4 : i32
      %scan3A_51 = arith.addi %scan3A_49, %scan3A_50 : i32
      %scan3A_52 = arith.constant 1 : i32
      scf.for %scan3A_54 = %scan3A_49 to %scan3A_51 step %scan3A_52  : i32 {
        %mul3A_55 = arith.constant 2 : i32
        %mul3A_56 = arith.muli %mul3A_55, %scan3A_54 : i32
        %add3A_57 = arith.constant 1 : i32
        %add3A_58 = arith.addi %mul3A_56, %add3A_57 : i32
        %dma_wait3A = arith.constant 0 : i32
        %dma_wait3A_59 = tpu.memref_slice %arg7[%mul3A_56, %dma_wait3A] : memref<8x128xi32, #tpu.memory_space<vmem>> -> memref<1x128xi32, #tpu.memory_space<vmem>>
        %dma_wait3A_60 = tpu.memref_squeeze %dma_wait3A_59 : memref<1x128xi32, #tpu.memory_space<vmem>> -> memref<128xi32, #tpu.memory_space<vmem>>
        %dma_wait3A_61 = arith.constant 0 : i32
        %dma_wait3A_62 = arith.constant 0 : i32
        %dma_wait3A_63 = tpu.memref_slice %arg4[%dma_wait3A_61, %dma_wait3A_62] : memref<10240x128xf32, #tpu.memory_space<hbm>> -> memref<10240x128xf32, #tpu.memory_space<hbm>>
        tpu.wait_indirect_dma semaphore(%arg12 : memref<!tpu.dma_semaphore, #tpu.memory_space<semaphore_mem>>) src(%dma_wait3A_63 : memref<10240x128xf32, #tpu.memory_space<hbm>>) dst(%arg9 : memref<128x128xf32, #tpu.memory_space<vmem>>)
        %dma_start3A_64 = arith.constant 0 : i32
        %dma_start3A_65 = tpu.memref_slice %arg7[%add3A_58, %dma_start3A_64] : memref<8x128xi32, #tpu.memory_space<vmem>> -> memref<1x128xi32, #tpu.memory_space<vmem>>
        %dma_start3A_66 = tpu.memref_squeeze %dma_start3A_65 : memref<1x128xi32, #tpu.memory_space<vmem>> -> memref<128xi32, #tpu.memory_space<vmem>>
        %dma_start3A_67 = arith.constant 0 : i32
        %dma_start3A_68 = arith.constant 0 : i32
        %dma_start3A_69 = tpu.memref_slice %arg4[%dma_start3A_67, %dma_start3A_68] : memref<10240x128xf32, #tpu.memory_space<hbm>> -> memref<10240x128xf32, #tpu.memory_space<hbm>>
        tpu.enqueue_indirect_dma source(%dma_start3A_69 : memref<10240x128xf32, #tpu.memory_space<hbm>>) target(%arg10 : memref<128x128xf32, #tpu.memory_space<vmem>>) offsets(%dma_start3A_66 : memref<128xi32, #tpu.memory_space<vmem>>) semaphore(%arg13 : memref<!tpu.dma_semaphore, #tpu.memory_space<semaphore_mem>>)
        "tpu.region"() ({
          %run_scoped3A = tpu.sem_alloc : memref<!tpu.dma_semaphore, #tpu.memory_space<semaphore_mem>>
          %dma_start3A_78 = arith.constant 0 : i32
          %dma_start3A_79 = tpu.memref_slice %arg8[%mul3A_56, %dma_start3A_78] : memref<8x128xi32, #tpu.memory_space<vmem>> -> memref<1x128xi32, #tpu.memory_space<vmem>>
          %dma_start3A_80 = tpu.memref_squeeze %dma_start3A_79 : memref<1x128xi32, #tpu.memory_space<vmem>> -> memref<128xi32, #tpu.memory_space<vmem>>
          %dma_start3A_81 = arith.constant 0 : i32
          %dma_start3A_82 = arith.constant 0 : i32
          %dma_start3A_83 = tpu.memref_slice %arg11[%dma_start3A_81, %dma_start3A_82] : memref<10240x128xf32, #tpu.memory_space<vmem_shared>> -> memref<10240x128xf32, #tpu.memory_space<vmem_shared>>
          tpu.enqueue_indirect_dma source(%arg9 : memref<128x128xf32, #tpu.memory_space<vmem>>) target(%dma_start3A_83 : memref<10240x128xf32, #tpu.memory_space<vmem_shared>>) offsets(%dma_start3A_80 : memref<128xi32, #tpu.memory_space<vmem>>) semaphore(%run_scoped3A : memref<!tpu.dma_semaphore, #tpu.memory_space<semaphore_mem>>) {add = true}
          %dma_wait3A_84 = arith.constant 0 : i32
          %dma_wait3A_85 = tpu.memref_slice %arg8[%mul3A_56, %dma_wait3A_84] : memref<8x128xi32, #tpu.memory_space<vmem>> -> memref<1x128xi32, #tpu.memory_space<vmem>>
          %dma_wait3A_86 = tpu.memref_squeeze %dma_wait3A_85 : memref<1x128xi32, #tpu.memory_space<vmem>> -> memref<128xi32, #tpu.memory_space<vmem>>
          %dma_wait3A_87 = arith.constant 0 : i32
          %dma_wait3A_88 = arith.constant 0 : i32
          %dma_wait3A_89 = tpu.memref_slice %arg11[%dma_wait3A_87, %dma_wait3A_88] : memref<10240x128xf32, #tpu.memory_space<vmem_shared>> -> memref<10240x128xf32, #tpu.memory_space<vmem_shared>>
          tpu.wait_indirect_dma semaphore(%run_scoped3A : memref<!tpu.dma_semaphore, #tpu.memory_space<semaphore_mem>>) src(%arg9 : memref<128x128xf32, #tpu.memory_space<vmem>>) dst(%dma_wait3A_89 : memref<10240x128xf32, #tpu.memory_space<vmem_shared>>)
          tpu.yield
        }) : () -> ()
        %dma_wait3A_70 = arith.constant 0 : i32
        %dma_wait3A_71 = tpu.memref_slice %arg7[%add3A_58, %dma_wait3A_70] : memref<8x128xi32, #tpu.memory_space<vmem>> -> memref<1x128xi32, #tpu.memory_space<vmem>>
        %dma_wait3A_72 = tpu.memref_squeeze %dma_wait3A_71 : memref<1x128xi32, #tpu.memory_space<vmem>> -> memref<128xi32, #tpu.memory_space<vmem>>
        %dma_wait3A_73 = arith.constant 0 : i32
        %dma_wait3A_74 = arith.constant 0 : i32
        %dma_wait3A_75 = tpu.memref_slice %arg4[%dma_wait3A_73, %dma_wait3A_74] : memref<10240x128xf32, #tpu.memory_space<hbm>> -> memref<10240x128xf32, #tpu.memory_space<hbm>>
        tpu.wait_indirect_dma semaphore(%arg13 : memref<!tpu.dma_semaphore, #tpu.memory_space<semaphore_mem>>) src(%dma_wait3A_75 : memref<10240x128xf32, #tpu.memory_space<hbm>>) dst(%arg10 : memref<128x128xf32, #tpu.memory_space<vmem>>)
        %lt3A = arith.constant 3 : i32
        %lt3A_76 = arith.cmpi slt, %scan3A_54, %lt3A : i32
        %convert_element_type3A = arith.extui %lt3A_76 : i1 to i32
        %cond3A = arith.constant 0 : i32
        %cond3A_77 = arith.cmpi ne, %convert_element_type3A, %cond3A : i32
        scf.if %cond3A_77 {
          %add3A_78 = arith.constant 2 : i32
          %add3A_79 = arith.addi %mul3A_56, %add3A_78 : i32
          %dma_start3A_80 = arith.constant 0 : i32
          %dma_start3A_81 = tpu.memref_slice %arg7[%add3A_79, %dma_start3A_80] : memref<8x128xi32, #tpu.memory_space<vmem>> -> memref<1x128xi32, #tpu.memory_space<vmem>>
          %dma_start3A_82 = tpu.memref_squeeze %dma_start3A_81 : memref<1x128xi32, #tpu.memory_space<vmem>> -> memref<128xi32, #tpu.memory_space<vmem>>
          %dma_start3A_83 = arith.constant 0 : i32
          %dma_start3A_84 = arith.constant 0 : i32
          %dma_start3A_85 = tpu.memref_slice %arg4[%dma_start3A_83, %dma_start3A_84] : memref<10240x128xf32, #tpu.memory_space<hbm>> -> memref<10240x128xf32, #tpu.memory_space<hbm>>
          tpu.enqueue_indirect_dma source(%dma_start3A_85 : memref<10240x128xf32, #tpu.memory_space<hbm>>) target(%arg9 : memref<128x128xf32, #tpu.memory_space<vmem>>) offsets(%dma_start3A_82 : memref<128xi32, #tpu.memory_space<vmem>>) semaphore(%arg12 : memref<!tpu.dma_semaphore, #tpu.memory_space<semaphore_mem>>)
        } else {
        }
        "tpu.region"() ({
          %run_scoped3A = tpu.sem_alloc : memref<!tpu.dma_semaphore, #tpu.memory_space<semaphore_mem>>
          %dma_start3A_78 = arith.constant 0 : i32
          %dma_start3A_79 = tpu.memref_slice %arg8[%add3A_58, %dma_start3A_78] : memref<8x128xi32, #tpu.memory_space<vmem>> -> memref<1x128xi32, #tpu.memory_space<vmem>>
          %dma_start3A_80 = tpu.memref_squeeze %dma_start3A_79 : memref<1x128xi32, #tpu.memory_space<vmem>> -> memref<128xi32, #tpu.memory_space<vmem>>
          %dma_start3A_81 = arith.constant 0 : i32
          %dma_start3A_82 = arith.constant 0 : i32
          %dma_start3A_83 = tpu.memref_slice %arg11[%dma_start3A_81, %dma_start3A_82] : memref<10240x128xf32, #tpu.memory_space<vmem_shared>> -> memref<10240x128xf32, #tpu.memory_space<vmem_shared>>
          tpu.enqueue_indirect_dma source(%arg10 : memref<128x128xf32, #tpu.memory_space<vmem>>) target(%dma_start3A_83 : memref<10240x128xf32, #tpu.memory_space<vmem_shared>>) offsets(%dma_start3A_80 : memref<128xi32, #tpu.memory_space<vmem>>) semaphore(%run_scoped3A : memref<!tpu.dma_semaphore, #tpu.memory_space<semaphore_mem>>) {add = true}
          %dma_wait3A_84 = arith.constant 0 : i32
          %dma_wait3A_85 = tpu.memref_slice %arg8[%add3A_58, %dma_wait3A_84] : memref<8x128xi32, #tpu.memory_space<vmem>> -> memref<1x128xi32, #tpu.memory_space<vmem>>
          %dma_wait3A_86 = tpu.memref_squeeze %dma_wait3A_85 : memref<1x128xi32, #tpu.memory_space<vmem>> -> memref<128xi32, #tpu.memory_space<vmem>>
          %dma_wait3A_87 = arith.constant 0 : i32
          %dma_wait3A_88 = arith.constant 0 : i32
          %dma_wait3A_89 = tpu.memref_slice %arg11[%dma_wait3A_87, %dma_wait3A_88] : memref<10240x128xf32, #tpu.memory_space<vmem_shared>> -> memref<10240x128xf32, #tpu.memory_space<vmem_shared>>
          tpu.wait_indirect_dma semaphore(%run_scoped3A : memref<!tpu.dma_semaphore, #tpu.memory_space<semaphore_mem>>) src(%arg10 : memref<128x128xf32, #tpu.memory_space<vmem>>) dst(%dma_wait3A_89 : memref<10240x128xf32, #tpu.memory_space<vmem_shared>>)
          tpu.yield
        }) : () -> ()
      }
      %scan3A_53 = arith.constant 4 : i32
    }
    %barrier3A_38 = arith.constant 0 : index
    tpu.barrier barrier_id(%barrier3A_38)
    "tpu.region"() ({
      %run_scoped3A = tpu.sem_alloc : memref<!tpu.dma_semaphore, #tpu.memory_space<semaphore_mem>>
      %dma_start3A = arith.constant 0 : i32
      %dma_start3A_39 = tpu.memref_slice %arg6[%arg0, %mul3A_0, %dma_start3A] : memref<2x10240x128xf32, #tpu.memory_space<hbm>> -> memref<1x640x128xf32, #tpu.memory_space<hbm>>
      %dma_start3A_40 = tpu.memref_squeeze %dma_start3A_39 : memref<1x640x128xf32, #tpu.memory_space<hbm>> -> memref<640x128xf32, #tpu.memory_space<hbm>>
      %dma_start3A_41 = arith.constant 0 : i32
      %dma_start3A_42 = tpu.memref_slice %arg11[%mul3A_0, %dma_start3A_41] : memref<10240x128xf32, #tpu.memory_space<vmem_shared>> -> memref<640x128xf32, #tpu.memory_space<vmem_shared>>
      tpu.enqueue_dma source(%dma_start3A_42 : memref<640x128xf32, #tpu.memory_space<vmem_shared>>) target(%dma_start3A_40 : memref<640x128xf32, #tpu.memory_space<hbm>>) target_semaphore(%run_scoped3A : memref<!tpu.dma_semaphore, #tpu.memory_space<semaphore_mem>>)
      %dma_wait3A = arith.constant 0 : i32
      %dma_wait3A_43 = tpu.memref_slice %arg6[%arg0, %mul3A_0, %dma_wait3A] : memref<2x10240x128xf32, #tpu.memory_space<hbm>> -> memref<1x640x128xf32, #tpu.memory_space<hbm>>
      %dma_wait3A_44 = tpu.memref_squeeze %dma_wait3A_43 : memref<1x640x128xf32, #tpu.memory_space<hbm>> -> memref<640x128xf32, #tpu.memory_space<hbm>>
      %dma_wait3A_45 = arith.constant 0 : i32
      %dma_wait3A_46 = tpu.memref_slice %arg11[%mul3A_0, %dma_wait3A_45] : memref<10240x128xf32, #tpu.memory_space<vmem_shared>> -> memref<640x128xf32, #tpu.memory_space<vmem_shared>>
      tpu.wait_dma2 semaphore(%run_scoped3A : memref<!tpu.dma_semaphore, #tpu.memory_space<semaphore_mem>>) src(%dma_wait3A_46 : memref<640x128xf32, #tpu.memory_space<vmem_shared>>) dst(%dma_wait3A_44 : memref<640x128xf32, #tpu.memory_space<hbm>>)
      tpu.yield
    }) : () -> ()
    return
  }
}

module attributes {stable_mosaic.version = 14 : i64} {
  func.func @_xnorm_body(%arg0: i32, %arg1: memref<2x1280xf32, #tpu.memory_space<vmem>>, %arg2: memref<1280x128xf32, #tpu.memory_space<vmem>>, %arg3: memref<1280x128xf32, #tpu.memory_space<vmem>>) attributes {dimension_semantics = [#tpu.dimension_semantics<arbitrary>], iteration_bounds = array<i64: 8>, scalar_prefetch = 0 : i64, scratch_operands = 0 : i64, tpu.core_type = #tpu.core_type<tc>, window_params = [{transform_indices = @transform_0, window_bounds = array<i64: 2, 1280>}, {transform_indices = @transform_1, window_bounds = array<i64: 1280, 128>}, {transform_indices = @transform_2, window_bounds = array<i64: 1280, 128>}]} {
    %get3A = arith.constant 0 : index
    %get3A_0 = arith.constant 0 : index
    %get3A_1 = vector.load %arg1[%get3A, %get3A_0] : memref<2x1280xf32, #tpu.memory_space<vmem>>, vector<1x1280xf32>
    %get3A_2 = vector.shape_cast %get3A_1 : vector<1x1280xf32> to vector<1280xf32>
    %get3A_3 = arith.constant 1 : index
    %get3A_4 = arith.constant 0 : index
    %get3A_5 = vector.load %arg1[%get3A_3, %get3A_4] : memref<2x1280xf32, #tpu.memory_space<vmem>>, vector<1x1280xf32>
    %get3A_6 = vector.shape_cast %get3A_5 : vector<1x1280xf32> to vector<1280xf32>
    %add3A = arith.addf %get3A_2, %get3A_6 : vector<1280xf32>
    %add3A_7 = arith.constant 1.000000e+00 : f32
    %add3A_8 = vector.broadcast %add3A_7 : f32 to vector<1280xf32>
    %add3A_9 = arith.addf %add3A_8, %add3A : vector<1280xf32>
    %rsqrt3A = math.rsqrt %add3A_9 : vector<1280xf32>
    %get3A_10 = arith.constant 0 : index
    %get3A_11 = arith.constant 0 : index
    %get3A_12 = vector.load %arg2[%get3A_10, %get3A_11] : memref<1280x128xf32, #tpu.memory_space<vmem>>, vector<1280x128xf32>
    %broadcast_in_dim3A = vector.shape_cast %rsqrt3A : vector<1280xf32> to vector<1280x1xf32>
    %mul3A = vector.broadcast %broadcast_in_dim3A : vector<1280x1xf32> to vector<1280x128xf32>
    %mul3A_13 = arith.mulf %get3A_12, %mul3A : vector<1280x128xf32>
    %swap3A = arith.constant 0 : index
    %swap3A_14 = arith.constant 0 : index
    %swap3A_15 = vector.load %arg3[%swap3A, %swap3A_14] : memref<1280x128xf32, #tpu.memory_space<vmem>>, vector<1280x128xf32>
    tpu.vector_store %arg3[%swap3A, %swap3A_14], %mul3A_13 {strides = array<i32>} : memref<1280x128xf32, #tpu.memory_space<vmem>>, vector<1280x128xf32>,
    return
  }
  func.func @transform_0(%arg0: i32) -> (i32, i32) {
    %c0_i32 = arith.constant 0 : i32
    %c0_i32_0 = arith.constant 0 : i32
    return %c0_i32, %arg0 : i32, i32
  }
  func.func @transform_1(%arg0: i32) -> (i32, i32) {
    %c0_i32 = arith.constant 0 : i32
    %c0_i32_0 = arith.constant 0 : i32
    return %arg0, %c0_i32 : i32, i32
  }
  func.func @transform_2(%arg0: i32) -> (i32, i32) {
    %c0_i32 = arith.constant 0 : i32
    %c0_i32_0 = arith.constant 0 : i32
    return %arg0, %c0_i32 : i32, i32
  }
}

module attributes {stable_mosaic.version = 14 : i64} {
  func.func @_final_body(%arg0: i32, %arg1: memref<2x1280x128xf32, #tpu.memory_space<vmem>>, %arg2: memref<1280x128xf32, #tpu.memory_space<vmem>>, %arg3: memref<2x1280xf32, #tpu.memory_space<vmem>>, %arg4: memref<1280x128xf32, #tpu.memory_space<vmem>>) attributes {dimension_semantics = [#tpu.dimension_semantics<arbitrary>], iteration_bounds = array<i64: 8>, scalar_prefetch = 0 : i64, scratch_operands = 0 : i64, tpu.core_type = #tpu.core_type<tc>, window_params = [{transform_indices = @transform_0, window_bounds = array<i64: 2, 1280, 128>}, {transform_indices = @transform_1, window_bounds = array<i64: 1280, 128>}, {transform_indices = @transform_2, window_bounds = array<i64: 2, 1280>}, {transform_indices = @transform_3, window_bounds = array<i64: 1280, 128>}]} {
    %get3A = arith.constant 0 : index
    %get3A_0 = arith.constant 0 : index
    %get3A_1 = vector.load %arg3[%get3A, %get3A_0] : memref<2x1280xf32, #tpu.memory_space<vmem>>, vector<1x1280xf32>
    %get3A_2 = vector.shape_cast %get3A_1 : vector<1x1280xf32> to vector<1280xf32>
    %get3A_3 = arith.constant 1 : index
    %get3A_4 = arith.constant 0 : index
    %get3A_5 = vector.load %arg3[%get3A_3, %get3A_4] : memref<2x1280xf32, #tpu.memory_space<vmem>>, vector<1x1280xf32>
    %get3A_6 = vector.shape_cast %get3A_5 : vector<1x1280xf32> to vector<1280xf32>
    %add3A = arith.addf %get3A_2, %get3A_6 : vector<1280xf32>
    %add3A_7 = arith.constant 1.000000e+00 : f32
    %add3A_8 = vector.broadcast %add3A_7 : f32 to vector<1280xf32>
    %add3A_9 = arith.addf %add3A_8, %add3A : vector<1280xf32>
    %rsqrt3A = math.rsqrt %add3A_9 : vector<1280xf32>
    %get3A_10 = arith.constant 0 : index
    %get3A_11 = arith.constant 0 : index
    %get3A_12 = arith.constant 0 : index
    %get3A_13 = vector.load %arg1[%get3A_10, %get3A_11, %get3A_12] : memref<2x1280x128xf32, #tpu.memory_space<vmem>>, vector<1x1280x128xf32>
    %get3A_14 = vector.shape_cast %get3A_13 : vector<1x1280x128xf32> to vector<1280x128xf32>
    %get3A_15 = arith.constant 1 : index
    %get3A_16 = arith.constant 0 : index
    %get3A_17 = arith.constant 0 : index
    %get3A_18 = vector.load %arg1[%get3A_15, %get3A_16, %get3A_17] : memref<2x1280x128xf32, #tpu.memory_space<vmem>>, vector<1x1280x128xf32>
    %get3A_19 = vector.shape_cast %get3A_18 : vector<1x1280x128xf32> to vector<1280x128xf32>
    %add3A_20 = arith.addf %get3A_14, %get3A_19 : vector<1280x128xf32>
    %get3A_21 = arith.constant 0 : index
    %get3A_22 = arith.constant 0 : index
    %get3A_23 = vector.load %arg2[%get3A_21, %get3A_22] : memref<1280x128xf32, #tpu.memory_space<vmem>>, vector<1280x128xf32>
    %add3A_24 = arith.addf %add3A_20, %get3A_23 : vector<1280x128xf32>
    %broadcast_in_dim3A = vector.shape_cast %rsqrt3A : vector<1280xf32> to vector<1280x1xf32>
    %mul3A = vector.broadcast %broadcast_in_dim3A : vector<1280x1xf32> to vector<1280x128xf32>
    %mul3A_25 = arith.mulf %add3A_24, %mul3A : vector<1280x128xf32>
    %swap3A = arith.constant 0 : index
    %swap3A_26 = arith.constant 0 : index
    %swap3A_27 = vector.load %arg4[%swap3A, %swap3A_26] : memref<1280x128xf32, #tpu.memory_space<vmem>>, vector<1280x128xf32>
    tpu.vector_store %arg4[%swap3A, %swap3A_26], %mul3A_25 {strides = array<i32>} : memref<1280x128xf32, #tpu.memory_space<vmem>>, vector<1280x128xf32>,
    return
  }
  func.func @transform_0(%arg0: i32) -> (i32, i32, i32) {
    %c0_i32 = arith.constant 0 : i32
    %c0_i32_0 = arith.constant 0 : i32
    %c0_i32_1 = arith.constant 0 : i32
    return %c0_i32, %arg0, %c0_i32_0 : i32, i32, i32
  }
  func.func @transform_1(%arg0: i32) -> (i32, i32) {
    %c0_i32 = arith.constant 0 : i32
    %c0_i32_0 = arith.constant 0 : i32
    return %arg0, %c0_i32 : i32, i32
  }
  func.func @transform_2(%arg0: i32) -> (i32, i32) {
    %c0_i32 = arith.constant 0 : i32
    %c0_i32_0 = arith.constant 0 : i32
    return %c0_i32, %arg0 : i32, i32
  }
  func.func @transform_3(%arg0: i32) -> (i32, i32) {
    %c0_i32 = arith.constant 0 : i32
    %c0_i32_0 = arith.constant 0 : i32
    return %arg0, %c0_i32 : i32, i32
  }
}

</mosaic_0001>

<sc_bundles>
// kernel: kernel.6.cloned.1.call-start
scs
__scs_entry_jumppad:
0x0: {  	(pc) =	sbr.rel $0x88, $3  }
0x1: {  	(tag) =	ssettag $0x0;
	lr =	simm.s32 $0x1  }
0x2: {  	[smem:$0x3F9F] =	sst lr;
	_ =	strace $0xD0000000  }
0x3: {  	_ = 	snop  }
0x4: {  	_ = 	snop  }
0x5: {  	_ = 	snop  }
0x6: {  	_ = 	snop  }
0x7: {  	_ = 	snop  }
__scs_overlays_trampoline_lowered:
0x8: {  	[smem:$0x3FAE] =	sst s0  }
0x9: {  	[smem:$0x3FAF] =	sst s1  }
0xa: {  	[smem:$0x3FB0] =	sst s2  }
0xb: {  	[smem:$0x3FB1] =	sst s3  }
0xc: {  	[smem:$0x3FB2] =	sst s4  }
0xd: {  	[smem:$0x3FB3] =	sst s5  }
0xe: {  	[smem:$0x3FB4] =	sst s6  }
0xf: {  	[smem:$0x3FB5] =	sst s7  }
0x10: {  	[smem:$0x3FB6] =	sst s8  }
0x11: {  	[smem:$0x3FB7] =	sst s9;
	s0 =	simm.s32 @!p0 $0x0  }
0x12: {  	s1 =	sld [smem:$0x3F9D];
	s0 =	simm.s32 @p0 $0x1  }
0x13: {  	[smem:$0x3FB8] =	sst s0;
	s0 =	simm.s32 @!p1 $0x0  }
0x14: {  	s2 =	sld [smem:$0x3F9C];
	s0 =	simm.s32 @p1 $0x1  }
0x15: {  	[smem:$0x3FB9] =	sst s0;
	s0 =	simm.s32 @!p2 $0x0  }
0x16: {  	s3 =	sld [smem:$0x3FDB];
	s0 =	simm.s32 @p2 $0x1  }
0x17: {  	s4 =	simm.s32 $0x1BF5;
	[smem:$0x3FBB] =	sst s0  }
0x18: {  	s0 =	sld [smem:$0x3F9E];
	_ =	swait.ge [sflag:s4], $0x0  }
0x19: {  	s7 =	sld [smem:$0x3F9F]  }
0x1a: {  	s8 =	sadd.s32 $0xFFFFE003, lr  }
0x1b: {  	s9 =	sadd.s32 $0xFFFFFEF7, lr;
	s5 =	simm.s32 $0xFFFFFFFF;
	p2 =	slt.u32 s8, $0xFFFFF086  }
0x1c: {  	p1 =	slt.u32 s9, $0xF7A;
	s5 =	simm.s32 @!p2 $0x0  }
0x1d: {  	s5 =	simm.s32 @p1 $0x1;
	p0 =	seq.s32 s7, s2  }
0x1e: {  	s7 =	smul.u32 @!p0 $0xF7A, s2;
	p2 =	seq.s32 @!p0 s5, $0x0  }
0x1f: {  	s9 =	smul.u32 $0xF7A, s1;
	s8 =	simm.s32 @!p0 $0x1BF5;
	p2 =	por !p2, p0  }
0x20: {  	[sflag:s8] =	ssyncset.s32 @!p0 $0xFFFFF086;
	s6 =	sadd.s32 @!p0 s3, s7;
	s7 =	simm.s32 @!p0 $0x108  }
0x21: {  	s3 =	sadd.s32 s3, s9;
	s6 =	sadd.s32 @!p0 $0x88, s6;
	s7 =	simm.s32 @p2 $0x1082  }
0x22: {  	[simem:s7], [sflag:s8] =	dma.local @!p0 [hbm:s6], $0xF7A  }
0x23: {  	s9 =	sor.u32 $0xD0000000, s2;
	s6 =	simm.s32 $0x108;
	_ =	swait.ge @!p0 [sflag:s8], $0x0  }
0x24: {  	s3 =	sadd.s32 $0x88, s3;
	s6 =	simm.s32 @!p1 $0x1082;
	[sflag:s4] =	ssyncset.s32 $0xFFFFF086  }
0x25: {  	[simem:s6], [sflag:s4] =	dma.local [hbm:s3], $0xF7A  }
0x26: {  	[smem:$0x3F9F] =	sst s1;
	(tag) =	ssettag s2;
	_ =	strace s9  }
0x27: {  	s1 =	sld [smem:$0x3FAF]  }
0x28: {  	s2 =	sld [smem:$0x3FB0]  }
0x29: {  	s4 =	sld [smem:$0x3FB2]  }
0x2a: {  	p0 =	seq.s32 s5, $0x0;
	s5 =	sld [smem:$0x3FB3]  }
0x2b: {  	s6 =	sld [smem:$0x3FB4]  }
0x2c: {  	s7 =	sld [smem:$0x3FB5]  }
0x2d: {  	s3 =	simm.s32 $0x108;
	s8 =	sld [smem:$0x3FB6]  }
0x2e: {  	s3 =	simm.s32 @!p0 $0x1082;
	s9 =	sld [smem:$0x3FB7]  }
0x2f: {  	lr =	sadd.s32 s0, s3;
	s0 =	sld [smem:$0x3FAE]  }
0x30: {  	s3 =	sld [smem:$0x3FB1]  }
0x31: {  	[smem:$0x3FBA] =	sst s10  }
0x32: {  	s10 =	sld [smem:$0x3FB8];
	_ =	sdelay $0x3  }
0x33: {  	p0 =	seq.s32 s10, $0x1;
	s10 =	sld [smem:$0x3FBA];
	_ =	sdelay $0x3  }
0x34: {  	[smem:$0x3FBA] =	sst s10  }
0x35: {  	s10 =	sld [smem:$0x3FB9];
	_ =	sdelay $0x3  }
0x36: {  	p1 =	seq.s32 s10, $0x1;
	s10 =	sld [smem:$0x3FBA];
	_ =	sdelay $0x3  }
0x37: {  	[smem:$0x3FBA] =	sst s10  }
0x38: {  	s10 =	sld [smem:$0x3FBB]  }
0x39: {  	_ = 	snop;
	(pc) =	sbr.ind lr, $3  }
0x3a: {  	_ = 	snop  }
0x3b: {  	_ = 	snop  }
0x3c: {  	p2 =	seq.s32 s10, $0x1;
	s10 =	sld [smem:$0x3FBA]  }
0x3d: {  	_ =	shalt  }
0x3e: {  	_ =	shalt  }
0x3f: {  	_ =	shalt  }
0x40: {  	_ =	shalt  }
0x41: {  	_ =	shalt  }
0x42: {  	_ =	shalt  }
0x43: {  	_ =	shalt  }
0x44: {  	_ =	shalt  }
0x45: {  	_ =	shalt  }
0x46: {  	_ =	shalt  }
0x47: {  	_ =	shalt  }
0x48: {  	_ =	shalt  }
0x49: {  	_ =	shalt  }
0x4a: {  	_ =	shalt  }
0x4b: {  	_ =	shalt  }
0x4c: {  	_ =	shalt  }
0x4d: {  	_ =	shalt  }
0x4e: {  	_ =	shalt  }
0x4f: {  	_ =	shalt  }
0x50: {  	_ =	shalt  }
0x51: {  	_ =	shalt  }
0x52: {  	_ =	shalt  }
0x53: {  	_ =	shalt  }
0x54: {  	_ =	shalt  }
0x55: {  	_ =	shalt  }
0x56: {  	_ =	shalt  }
0x57: {  	_ =	shalt  }
0x58: {  	_ =	shalt  }
0x59: {  	_ =	shalt  }
0x5a: {  	_ =	shalt  }
0x5b: {  	_ =	shalt  }
0x5c: {  	_ =	shalt  }
0x5d: {  	_ =	shalt  }
0x5e: {  	_ =	shalt  }
0x5f: {  	_ =	shalt  }
0x60: {  	_ =	shalt  }
0x61: {  	_ =	shalt  }
0x62: {  	_ =	shalt  }
0x63: {  	_ =	shalt  }
0x64: {  	_ =	shalt  }
0x65: {  	_ =	shalt  }
0x66: {  	_ =	shalt  }
0x67: {  	_ =	shalt  }
0x68: {  	_ =	shalt  }
0x69: {  	_ =	shalt  }
0x6a: {  	_ =	shalt  }
0x6b: {  	_ =	shalt  }
0x6c: {  	_ =	shalt  }
0x6d: {  	_ =	shalt  }
0x6e: {  	_ =	shalt  }
0x6f: {  	_ =	shalt  }
0x70: {  	_ =	shalt  }
0x71: {  	_ =	shalt  }
0x72: {  	_ =	shalt  }
0x73: {  	_ =	shalt  }
0x74: {  	_ =	shalt  }
0x75: {  	_ =	shalt  }
0x76: {  	_ =	shalt  }
0x77: {  	_ =	shalt  }
0x78: {  	_ =	shalt  }
0x79: {  	_ =	shalt  }
0x7a: {  	_ =	shalt  }
0x7b: {  	_ =	shalt  }
0x7c: {  	_ =	shalt  }
0x7d: {  	_ =	shalt  }
0x7e: {  	_ =	shalt  }
0x7f: {  	_ =	shalt  }
0x80: {  	_ =	shalt  }
0x81: {  	_ =	shalt  }
0x82: {  	_ =	shalt  }
0x83: {  	_ =	shalt  }
0x84: {  	_ =	shalt  }
0x85: {  	_ =	shalt  }
0x86: {  	_ =	shalt  }
0x87: {  	_ =	shalt  }
.Lfunc_end0:
.L_simem_size_0:
called_computation_lowered:
.L_overlay_start_0:
0x88: {  	s2 =	sld [smem:$0x3FD9]  }
0x89: {  	s3 =	sld [smem:$0x3FFE];
	_ =	sdelay $0x1  }
0x8a: {  	s1 =	srdreg.scid  }
0x8b: {  	s0 =	sand.u32 $0x1, s1  }
0x8c: {  	s17 =	sshll.u32 s0, $0xA;
	s2 =	sadd.s32 s3, s2  }
0x8d: {  	s2 =	sadd.s32 s2, s17  }
0x8e: {  	[smem:$0x3FC6] =	sst s2  }
0x8f: {  	_ = 	snop  }
0x90: {  	s2 =	sld [smem:$0x3FD0];
	(tm) =	ssettm $0x1  }
0x91: {  	s18 =	sld [smem:$0x3FFB];
	_ =	sdelay $0x3  }
0x92: {  	_ =	strace s18  }
0x93: {  	s3 =	sld [smem:$0x3FFC];
	_ =	sdelay $0x3  }
0x94: {  	_ =	strace s3  }
0x95: {  	s3 =	sld [smem:$0x3FFD];
	_ =	sdelay $0x3  }
0x96: {  	_ =	strace s3  }
0x97: {  	_ =	strace $0x8FFFFFFF  }
0x98: {  	s19 =	sld [smem:$0x3FDB];
	_ =	sdelay $0x1  }
0x99: {  	s4 =	simm.s32 $_scs_section_size  }
0x9a: {  	s5 =	simm.s32 $_size__tile_overlayer_lowered;
	s6 =	simm.s32 $_tile_overlayer_lowered  }
0x9b: {  	s22 =	simm.s32 $0x1BFF;
	s21 =	sshll.u32 s6, $0x1;
	s3 =	sadd.s32 s4, s19  }
0x9c: {  	s7 =	simm.s32 $0x0;
	s20 =	sshll.u32 s5, $0x1;
	s5 =	sadd.s32 s21, s3  }
0x9d: {  	[timem:s7], [sflag:s22] =	dma.local [hbm:s5], s20  }
0x9e: {  	_ =	swait.ge [sflag:s22], s20  }
0x9f: {  	s4 =	ssub.s32 $0x0, s20;
	[sflag:s22] =	ssyncset.done $0x0  }
0xa0: {  	[sflag:s22] =	ssyncadd.s32 s4;
	_ =	sdelay $0x1  }
0xa1: {  	s23 =	simm.s32 $0x1B8B  }
0xa2: {  	_ =	swait.ge [sflag:s23], $0x1  }
0xa3: {  	[sflag:s23] =	ssyncset.done $0x0  }
0xa4: {  	s25 =	simm.s32 $0x1B8E;
	s24 =	sld [smem:$0x3FFE];
	[sflag:s23] =	ssyncadd.s32 $0xFFFFFFFF  }
0xa5: {  	s26 =	simm.s32 $execute0_lowered;
	[smem:$0x3FD2] =	sst s25  }
0xa6: {  	s5 =	sshll.u32 s26, $0x1;
	_ =	strace $0x80000046;
	[dreg:$0x1] =	wrdreg $0xFFFFFFFF  }
0xa7: {  	s28 =	simm.s32 $_size_execute0_lowered;
	s3 =	sadd.s32 s3, s5;
	[dreg:$0x0] =	wrdreg $0x0  }
0xa8: {  	s5 =	sshll.u32 s28, $0x1;
	[dreg:$0x2] =	wrdreg s3  }
0xa9: {  	[dreg:$0x3] =	wrdreg s5  }
0xaa: {  	[dreg:$0x4] =	wrdreg $0xC0  }
0xab: {  	_ =	task [dreg:s7], $0x5FFFF  }
0xac: {  	[dreg:$0x1] =	wrdreg $0xFFFFFFFF  }
0xad: {  	[dreg:$0x0] =	wrdreg $0x60  }
0xae: {  	[dreg:$0x2] =	wrdreg s2  }
0xaf: {  	[dreg:$0x3] =	wrdreg s24  }
0xb0: {  	[dreg:$0x4] =	wrdreg $0x28800  }
0xb1: {  	[dreg:$0x5] =	wrdreg $0x9  }
0xb2: {  	_ =	task.clear_ibuf [dreg:s7], $0x6FFFF;
	_ =	strace $0x90000046  }
0xb3: {  	s29 =	simm.s32 $0x9;
	_ =	strace $0x80000048  }
0xb4: {  	_ =	swait.ge [sflag:s29], $0x1  }
0xb5: {  	[sflag:s29] =	ssyncadd.s32 $0xFFFFFFFF  }
0xb6: {  	_ =	strace $0x90000048  }
0xb7: {  	_ =	sfence  }
0xb8: {  	s30 =	sld [smem:$0x0];
	_ =	sdelay $0x2  }
0xb9: {  	s31 =	sshll.u32 s1, $0xD;
	s1 =	sshrl.u32 s1, $0x2  }
0xba: {  	s3 =	sand.u32 $0x4000, s31;
	s1 =	sadd.s32 s1, s30  }
0xbb: {  	s0 =	sor.u32 s3, s0;
	s1 =	sshll.u32 s1, $0x11  }
0xbc: {  	s0 =	sor.u32 s1, s0  }
0xbd: {  	s0 =	sadd.s32 $0x8F2B, s0  }
0xbe: {  	[sflag:s0] =	ssyncadd.remote.s32 $0x1  }
0xbf: {  	_ =	sfence.sel $0xFFFF  }
0xc0: {  	[dreg:$0x0] =	wrdreg $0xFFFFFFFF;
	(pc) =	sbr.abs _section_cstart, $3  }
0xc1: {  	[dreg:$0x1] =	wrdreg $0xFFFFFFFF  }
0xc2: {  	_ =	task.clear_ibuf [dreg:s7], $0x2FFFF;
	_ =	strace $0x9FFFFFFF  }
0xc3: {  	(tm) =	ssettm $0x7FFFFFFF  }
tec
execute0_lowered:
.L_overlay_start_1:
0x0: {  	(tag) =	ssettag $0x1  }
0x1: {  	s4 =	rddreg [dreg:$0x0]  }
0x2: {  	s5 =	rddreg [dreg:$0x1]  }
0x3: {  	s2 =	rddreg [dreg:$0x2]  }
0x4: {  	s0 =	rddreg [dreg:$0x3];
	s1 =	stileid.u32  }
0x5: {  	s3 =	simm.s32 $0x0;
	s7 =	srdreg.scid;
	s12 =	simm.s32 $0x2800  }
0x6: {  	s13 =	simm.s32 $0x20;
	s14 =	simm.s32 $0x10;
	s15 =	simm.s32 $0x0  }
0x7: {  	s6 =	smul.u32 $0x280, s1;
	[smem:$0x7FF] =	sst s3;
	s7 =	sand.u32 $0x1, s7  }
0x8: {  	s8 =	smul.u32 $0x500, s1;
	s10 =	sshll.u32 s1, $0x1;
	s31 =	sshll.u32 s1, $0x6  }
0x9: {  	_ =	strace $0x80000047;
	s9 =	sshll.u32 s7, $0x7;
	s26 =	sor.u32 s7, s10  }
0xa: {  	s7 =	ssub.s32 $0x2, s7;
	s11 =	sshrl.u32 s6, $0x3;
	s8 =	sor.u32 s9, s8  }
0xb: {  	s9 =	smul.u32 $0x500, s26;
	s29 =	sshrl.u32 s7, $0x1;
	s30 =	sadd.s32 s6, s2  }
0xc: {  	s8 =	sshrl.u32 s8, $0x3;
	s28 =	sadd.s32 s11, s5;
	s7 =	ssub.s32 s7, s29  }
0xd: {  	s10 =	sshrl.u32 s30, $0x3;
	s11 =	simm.s32 $0x80;
	s8 =	sadd.s32 s8, s5  }
0xe: {  	s4 =	sadd.s32 s4, s9;
	s5 =	sadd.s32 $0xB200, s28;
	s7 =	smax.u32 s7, $0x1  }
0xf: {  	v0 =	vimm.f32 $1.000000000e+00;
	s9 =	sor.u32 $0x1C01, s31;
	s6 =	sadd.s32 $0xB800, s8;
	s8 =	simm.s32 $0x1  }
.LBB2_1:
0x10: {  	[tilespmem:s3], [sflag:$0x1] =	stream.linear.gather [hbm4b:s4+s3], $0x2800, $0x38;
	[tilespmem:$0x2B00] =	vst v63  }
0x11: {  	_ =	swait.ge [sflag:s8], $0x2800  }
0x12: {  	[sflag:s8] =	ssyncset.done $0x0  }
0x13: {  	[sflag:s8] =	ssyncadd.s32 $0xFFFFD800  }
0x14: {  	[tilespmem:$0x2800] =	vst v0  }
0x15: {  	[tilespmem:$0x2810] =	vst v0  }
0x16: {  	[tilespmem:$0x2820] =	vst v0  }
0x17: {  	[tilespmem:$0x2830] =	vst v0  }
0x18: {  	[tilespmem:$0x2840] =	vst v0  }
0x19: {  	[tilespmem:$0x2850] =	vst v0  }
0x1a: {  	[tilespmem:$0x2860] =	vst v0  }
0x1b: {  	[tilespmem:$0x2870] =	vst v0  }
0x1c: {  	[spmem:s10], [sflag:s9] =	dma.local [hbm:s5], $0x50  }
0x1d: {  	_ =	swait.ge [sflag:s8], $0x50  }
0x1e: {  	[sflag:s8] =	ssyncset.done $0x0  }
0x1f: {  	[sflag:s8] =	ssyncadd.s32 $0xFFFFFFB0  }
0x20: {  	s16 =	simm.s32 $0x0;
	[bflag:$0x0] =	sbarrier.arrive $0xFFFF  }
0x21: {  	[spmem:s2] =	stream.indirect.scatter.add.f32 [tilespmem:s12], [sflag:$0x1], $0x1, s16, s11, $0xb8;
	[tilespmem:$0x2B00] =	vst v63  }
0x22: {  	_ =	swait.ge [sflag:s8], $0x80  }
0x23: {  	s16 =	simm.s32 $0x200;
	[sflag:s8] =	ssyncset.done $0x0  }
.LBB2_2:
0x24: {  	s17 =	sshra.s32 s16, $0x2;
	[sflag:s8] =	ssyncadd.s32 $0xFFFFFF80;
	p0 =	sne.s32 s16, $0x9E00  }
0x25: {  	[spmem:s2] =	stream.indirect.scatter.add.f32 [tilespmem:s12], [sflag:$0x1], $0x1, s17, s11, $0xb8;
	[tilespmem:$0x2B00] =	vst v63  }
.Ltmp0:
0x26: {  	_ = 	snop;
	(pc) =	sbr.rel @p0 .LBB2_2-.Ltmp0, $4  }
0x27: {  	_ = 	snop  }
0x28: {  	s16 =	sadd.s32 $0x200, s16  }
0x29: {  	_ =	swait.ge [sflag:s8], $0x80  }
0x2a: {  	[sflag:s8] =	ssyncset.done $0x0  }
0x2b: {  	s15 =	sadd.s32 $0x1, s15  }
0x2c: {  	[sflag:s8] =	ssyncadd.s32 $0xFFFFFF80;
	p0 =	sne.s32 s15, s7  }
.Ltmp1:
0x2d: {  	[bflag:$0x0] =	sbarrier.arrive $0xFFFF;
	(pc) =	sbr.rel @p0 .LBB2_1-.Ltmp1, $4  }
0x2e: {  	[hbm:s6@s13], [sflag:s9] =	dma.strided [spmem:s10@s14], $0x50, s8, $0x10   }
0x2f: {  	_ =	swait.ge [sflag:s8], $0x50  }
0x30: {  	[sflag:s8] =	ssyncset.done $0x0  }
0x31: {  	[sflag:s8] =	ssyncadd.s32 $0xFFFFFFB0  }
0x32: {  	_ =	sfence.sel $0x180000  }
0x33: {  	[bflag:$0x0] =	sbarrier.arrive $0xFFFF  }
0x34: {  	p0 =	sne.s32 s1, $0x0;
	_ =	strace $0x90000047  }
0x35: {  	s0 =	sadd.s32 @!p0 $0x100000, s0;
	[bflag:$0x2] =	sbarrier.arrive $0xFFFF  }
0x36: {  	[sflag:s0] =	ssyncadd.tile.s32 @!p0 $0x1;
	_ =	shalt  }
.Lfunc_end2:
_tile_overlayer_lowered:
.L_overlay_start_2:
0x37: {  	(tag) =	ssettag $0x2  }
0x38: {  	s0 =	rddreg [dreg:$0x0];
	s2 =	stileid.u32  }
0x39: {  	s1 =	rddreg [dreg:$0x1];
	p0 =	sne.s32 s2, $0x0  }
0x3a: {  	s3 =	rddreg [dreg:$0x2];
	[bflag:$0x3] =	sbarrier.arrive $0xFFFF;
	s2 =	simm.s32 @!p0 $0x1C01  }
0x3b: {  	[timem:s3], [sflag:s2] =	dma.local @!p0 [hbm:s0], s1  }
0x3c: {  	s0 =	simm.s32 @!p0 $0x1  }
0x3d: {  	_ =	swait.ge @!p0 [sflag:s0], s1  }
0x3e: {  	s1 =	ssub.s32 @!p0 $0x0, s1;
	[sflag:s0] =	ssyncset.done @!p0 $0x0  }
0x3f: {  	[sflag:s0] =	ssyncadd.s32 @!p0 s1  }
0x40: {  	[bflag:$0x3] =	sbarrier.arrive $0xFFFF  }
0x41: {  	_ =	shalt  }

// kernel: kernel.9.cloned.1.call-start
scs
__scs_entry_jumppad:
0x0: {  	(pc) =	sbr.rel $0x88, $3  }
0x1: {  	(tag) =	ssettag $0x0;
	lr =	simm.s32 $0x1  }
0x2: {  	[smem:$0x3F9F] =	sst lr;
	_ =	strace $0xD0000000  }
0x3: {  	_ = 	snop  }
0x4: {  	_ = 	snop  }
0x5: {  	_ = 	snop  }
0x6: {  	_ = 	snop  }
0x7: {  	_ = 	snop  }
__scs_overlays_trampoline_lowered:
0x8: {  	[smem:$0x3FAE] =	sst s0  }
0x9: {  	[smem:$0x3FAF] =	sst s1  }
0xa: {  	[smem:$0x3FB0] =	sst s2  }
0xb: {  	[smem:$0x3FB1] =	sst s3  }
0xc: {  	[smem:$0x3FB2] =	sst s4  }
0xd: {  	[smem:$0x3FB3] =	sst s5  }
0xe: {  	[smem:$0x3FB4] =	sst s6  }
0xf: {  	[smem:$0x3FB5] =	sst s7  }
0x10: {  	[smem:$0x3FB6] =	sst s8  }
0x11: {  	[smem:$0x3FB7] =	sst s9;
	s0 =	simm.s32 @!p0 $0x0  }
0x12: {  	s1 =	sld [smem:$0x3F9D];
	s0 =	simm.s32 @p0 $0x1  }
0x13: {  	[smem:$0x3FB8] =	sst s0;
	s0 =	simm.s32 @!p1 $0x0  }
0x14: {  	s2 =	sld [smem:$0x3F9C];
	s0 =	simm.s32 @p1 $0x1  }
0x15: {  	[smem:$0x3FB9] =	sst s0;
	s0 =	simm.s32 @!p2 $0x0  }
0x16: {  	s3 =	sld [smem:$0x3FDB];
	s0 =	simm.s32 @p2 $0x1  }
0x17: {  	s4 =	simm.s32 $0x1BF5;
	[smem:$0x3FBB] =	sst s0  }
0x18: {  	s0 =	sld [smem:$0x3F9E];
	_ =	swait.ge [sflag:s4], $0x0  }
0x19: {  	s7 =	sld [smem:$0x3F9F]  }
0x1a: {  	s8 =	sadd.s32 $0xFFFFE003, lr  }
0x1b: {  	s9 =	sadd.s32 $0xFFFFFEF7, lr;
	s5 =	simm.s32 $0xFFFFFFFF;
	p2 =	slt.u32 s8, $0xFFFFF086  }
0x1c: {  	p1 =	slt.u32 s9, $0xF7A;
	s5 =	simm.s32 @!p2 $0x0  }
0x1d: {  	s5 =	simm.s32 @p1 $0x1;
	p0 =	seq.s32 s7, s2  }
0x1e: {  	s7 =	smul.u32 @!p0 $0xF7A, s2;
	p2 =	seq.s32 @!p0 s5, $0x0  }
0x1f: {  	s9 =	smul.u32 $0xF7A, s1;
	s8 =	simm.s32 @!p0 $0x1BF5;
	p2 =	por !p2, p0  }
0x20: {  	[sflag:s8] =	ssyncset.s32 @!p0 $0xFFFFF086;
	s6 =	sadd.s32 @!p0 s3, s7;
	s7 =	simm.s32 @!p0 $0x108  }
0x21: {  	s3 =	sadd.s32 s3, s9;
	s6 =	sadd.s32 @!p0 $0x88, s6;
	s7 =	simm.s32 @p2 $0x1082  }
0x22: {  	[simem:s7], [sflag:s8] =	dma.local @!p0 [hbm:s6], $0xF7A  }
0x23: {  	s9 =	sor.u32 $0xD0000000, s2;
	s6 =	simm.s32 $0x108;
	_ =	swait.ge @!p0 [sflag:s8], $0x0  }
0x24: {  	s3 =	sadd.s32 $0x88, s3;
	s6 =	simm.s32 @!p1 $0x1082;
	[sflag:s4] =	ssyncset.s32 $0xFFFFF086  }
0x25: {  	[simem:s6], [sflag:s4] =	dma.local [hbm:s3], $0xF7A  }
0x26: {  	[smem:$0x3F9F] =	sst s1;
	(tag) =	ssettag s2;
	_ =	strace s9  }
0x27: {  	s1 =	sld [smem:$0x3FAF]  }
0x28: {  	s2 =	sld [smem:$0x3FB0]  }
0x29: {  	s4 =	sld [smem:$0x3FB2]  }
0x2a: {  	p0 =	seq.s32 s5, $0x0;
	s5 =	sld [smem:$0x3FB3]  }
0x2b: {  	s6 =	sld [smem:$0x3FB4]  }
0x2c: {  	s7 =	sld [smem:$0x3FB5]  }
0x2d: {  	s3 =	simm.s32 $0x108;
	s8 =	sld [smem:$0x3FB6]  }
0x2e: {  	s3 =	simm.s32 @!p0 $0x1082;
	s9 =	sld [smem:$0x3FB7]  }
0x2f: {  	lr =	sadd.s32 s0, s3;
	s0 =	sld [smem:$0x3FAE]  }
0x30: {  	s3 =	sld [smem:$0x3FB1]  }
0x31: {  	[smem:$0x3FBA] =	sst s10  }
0x32: {  	s10 =	sld [smem:$0x3FB8];
	_ =	sdelay $0x3  }
0x33: {  	p0 =	seq.s32 s10, $0x1;
	s10 =	sld [smem:$0x3FBA];
	_ =	sdelay $0x3  }
0x34: {  	[smem:$0x3FBA] =	sst s10  }
0x35: {  	s10 =	sld [smem:$0x3FB9];
	_ =	sdelay $0x3  }
0x36: {  	p1 =	seq.s32 s10, $0x1;
	s10 =	sld [smem:$0x3FBA];
	_ =	sdelay $0x3  }
0x37: {  	[smem:$0x3FBA] =	sst s10  }
0x38: {  	s10 =	sld [smem:$0x3FBB]  }
0x39: {  	_ = 	snop;
	(pc) =	sbr.ind lr, $3  }
0x3a: {  	_ = 	snop  }
0x3b: {  	_ = 	snop  }
0x3c: {  	p2 =	seq.s32 s10, $0x1;
	s10 =	sld [smem:$0x3FBA]  }
0x3d: {  	_ =	shalt  }
0x3e: {  	_ =	shalt  }
0x3f: {  	_ =	shalt  }
0x40: {  	_ =	shalt  }
0x41: {  	_ =	shalt  }
0x42: {  	_ =	shalt  }
0x43: {  	_ =	shalt  }
0x44: {  	_ =	shalt  }
0x45: {  	_ =	shalt  }
0x46: {  	_ =	shalt  }
0x47: {  	_ =	shalt  }
0x48: {  	_ =	shalt  }
0x49: {  	_ =	shalt  }
0x4a: {  	_ =	shalt  }
0x4b: {  	_ =	shalt  }
0x4c: {  	_ =	shalt  }
0x4d: {  	_ =	shalt  }
0x4e: {  	_ =	shalt  }
0x4f: {  	_ =	shalt  }
0x50: {  	_ =	shalt  }
0x51: {  	_ =	shalt  }
0x52: {  	_ =	shalt  }
0x53: {  	_ =	shalt  }
0x54: {  	_ =	shalt  }
0x55: {  	_ =	shalt  }
0x56: {  	_ =	shalt  }
0x57: {  	_ =	shalt  }
0x58: {  	_ =	shalt  }
0x59: {  	_ =	shalt  }
0x5a: {  	_ =	shalt  }
0x5b: {  	_ =	shalt  }
0x5c: {  	_ =	shalt  }
0x5d: {  	_ =	shalt  }
0x5e: {  	_ =	shalt  }
0x5f: {  	_ =	shalt  }
0x60: {  	_ =	shalt  }
0x61: {  	_ =	shalt  }
0x62: {  	_ =	shalt  }
0x63: {  	_ =	shalt  }
0x64: {  	_ =	shalt  }
0x65: {  	_ =	shalt  }
0x66: {  	_ =	shalt  }
0x67: {  	_ =	shalt  }
0x68: {  	_ =	shalt  }
0x69: {  	_ =	shalt  }
0x6a: {  	_ =	shalt  }
0x6b: {  	_ =	shalt  }
0x6c: {  	_ =	shalt  }
0x6d: {  	_ =	shalt  }
0x6e: {  	_ =	shalt  }
0x6f: {  	_ =	shalt  }
0x70: {  	_ =	shalt  }
0x71: {  	_ =	shalt  }
0x72: {  	_ =	shalt  }
0x73: {  	_ =	shalt  }
0x74: {  	_ =	shalt  }
0x75: {  	_ =	shalt  }
0x76: {  	_ =	shalt  }
0x77: {  	_ =	shalt  }
0x78: {  	_ =	shalt  }
0x79: {  	_ =	shalt  }
0x7a: {  	_ =	shalt  }
0x7b: {  	_ =	shalt  }
0x7c: {  	_ =	shalt  }
0x7d: {  	_ =	shalt  }
0x7e: {  	_ =	shalt  }
0x7f: {  	_ =	shalt  }
0x80: {  	_ =	shalt  }
0x81: {  	_ =	shalt  }
0x82: {  	_ =	shalt  }
0x83: {  	_ =	shalt  }
0x84: {  	_ =	shalt  }
0x85: {  	_ =	shalt  }
0x86: {  	_ =	shalt  }
0x87: {  	_ =	shalt  }
.Lfunc_end0:
.L_simem_size_0:
called_computation.1_lowered:
.L_overlay_start_0:
0x88: {  	s2 =	sld [smem:$0x3FD9]  }
0x89: {  	s3 =	sld [smem:$0x3FFE];
	_ =	sdelay $0x1  }
0x8a: {  	s1 =	srdreg.scid  }
0x8b: {  	s0 =	sand.u32 $0x1, s1  }
0x8c: {  	s17 =	sshll.u32 s0, $0xA;
	s2 =	sadd.s32 s3, s2  }
0x8d: {  	s2 =	sadd.s32 s2, s17  }
0x8e: {  	[smem:$0x3FC6] =	sst s2  }
0x8f: {  	_ = 	snop  }
0x90: {  	s2 =	sld [smem:$0x3FD0];
	(tm) =	ssettm $0x1  }
0x91: {  	s18 =	sld [smem:$0x3FFB];
	_ =	sdelay $0x3  }
0x92: {  	_ =	strace s18  }
0x93: {  	s3 =	sld [smem:$0x3FFC];
	_ =	sdelay $0x3  }
0x94: {  	_ =	strace s3  }
0x95: {  	s3 =	sld [smem:$0x3FFD];
	_ =	sdelay $0x3  }
0x96: {  	_ =	strace s3  }
0x97: {  	_ =	strace $0x8FFFFFFF  }
0x98: {  	s19 =	sld [smem:$0x3FDB];
	_ =	sdelay $0x1  }
0x99: {  	s4 =	simm.s32 $_scs_section_size  }
0x9a: {  	s5 =	simm.s32 $_size__tile_overlayer_lowered;
	s6 =	simm.s32 $_tile_overlayer_lowered  }
0x9b: {  	s22 =	simm.s32 $0x1BFF;
	s21 =	sshll.u32 s6, $0x1;
	s3 =	sadd.s32 s4, s19  }
0x9c: {  	s7 =	simm.s32 $0x0;
	s20 =	sshll.u32 s5, $0x1;
	s5 =	sadd.s32 s21, s3  }
0x9d: {  	[timem:s7], [sflag:s22] =	dma.local [hbm:s5], s20  }
0x9e: {  	_ =	swait.ge [sflag:s22], s20  }
0x9f: {  	s4 =	ssub.s32 $0x0, s20;
	[sflag:s22] =	ssyncset.done $0x0  }
0xa0: {  	[sflag:s22] =	ssyncadd.s32 s4;
	_ =	sdelay $0x1  }
0xa1: {  	s23 =	simm.s32 $0x1B8B  }
0xa2: {  	_ =	swait.ge [sflag:s23], $0x1  }
0xa3: {  	[sflag:s23] =	ssyncset.done $0x0  }
0xa4: {  	s25 =	simm.s32 $0x1B8E;
	s24 =	sld [smem:$0x3FFE];
	[sflag:s23] =	ssyncadd.s32 $0xFFFFFFFF  }
0xa5: {  	s26 =	simm.s32 $execute0_lowered;
	[smem:$0x3FD2] =	sst s25  }
0xa6: {  	s5 =	sshll.u32 s26, $0x1;
	_ =	strace $0x80000049;
	[dreg:$0x1] =	wrdreg $0xFFFFFFFF  }
0xa7: {  	s28 =	simm.s32 $_size_execute0_lowered;
	s3 =	sadd.s32 s3, s5;
	[dreg:$0x0] =	wrdreg $0x0  }
0xa8: {  	s5 =	sshll.u32 s28, $0x1;
	[dreg:$0x2] =	wrdreg s3  }
0xa9: {  	[dreg:$0x3] =	wrdreg s5  }
0xaa: {  	[dreg:$0x4] =	wrdreg $0xC0  }
0xab: {  	_ =	task [dreg:s7], $0x5FFFF  }
0xac: {  	[dreg:$0x1] =	wrdreg $0xFFFFFFFF  }
0xad: {  	[dreg:$0x0] =	wrdreg $0x60  }
0xae: {  	[dreg:$0x2] =	wrdreg s24  }
0xaf: {  	[dreg:$0x3] =	wrdreg s2  }
0xb0: {  	[dreg:$0x4] =	wrdreg $0x88000  }
0xb1: {  	[dreg:$0x5] =	wrdreg $0x9  }
0xb2: {  	_ =	task.clear_ibuf [dreg:s7], $0x6FFFF;
	_ =	strace $0x90000049  }
0xb3: {  	s29 =	simm.s32 $0x9;
	_ =	strace $0x8000004B  }
0xb4: {  	_ =	swait.ge [sflag:s29], $0x1  }
0xb5: {  	[sflag:s29] =	ssyncadd.s32 $0xFFFFFFFF  }
0xb6: {  	_ =	strace $0x9000004B  }
0xb7: {  	_ =	sfence  }
0xb8: {  	s30 =	sld [smem:$0x0];
	_ =	sdelay $0x2  }
0xb9: {  	s31 =	sshll.u32 s1, $0xD;
	s1 =	sshrl.u32 s1, $0x2  }
0xba: {  	s3 =	sand.u32 $0x4000, s31;
	s1 =	sadd.s32 s1, s30  }
0xbb: {  	s0 =	sor.u32 s3, s0;
	s1 =	sshll.u32 s1, $0x11  }
0xbc: {  	s0 =	sor.u32 s1, s0  }
0xbd: {  	s0 =	sadd.s32 $0x8F2B, s0  }
0xbe: {  	[sflag:s0] =	ssyncadd.remote.s32 $0x1  }
0xbf: {  	_ =	sfence.sel $0xFFFF  }
0xc0: {  	[dreg:$0x0] =	wrdreg $0xFFFFFFFF;
	(pc) =	sbr.abs _section_cstart, $3  }
0xc1: {  	[dreg:$0x1] =	wrdreg $0xFFFFFFFF  }
0xc2: {  	_ =	task.clear_ibuf [dreg:s7], $0x2FFFF;
	_ =	strace $0x9FFFFFFF  }
0xc3: {  	(tm) =	ssettm $0x7FFFFFFF  }
tec
execute0_lowered:
.L_overlay_start_1:
0x0: {  	(tag) =	ssettag $0x1  }
0x1: {  	s0 =	rddreg [dreg:$0x0]  }
0x2: {  	s1 =	rddreg [dreg:$0x1];
	s12 =	stileid.u32  }
0x3: {  	s3 =	srdreg.scid;
	s2 =	rddreg [dreg:$0x2];
	s13 =	simm.s32 $0x3  }
0x4: {  	s14 =	simm.s32 $0x400;
	s15 =	simm.s32 $0x80;
	s16 =	simm.s32 $0x800  }
0x5: {  	s17 =	simm.s32 $0x1;
	s18 =	simm.s32 $0x4800;
	s19 =	simm.s32 $0x2  }
0x6: {  	s28 =	simm.s32 $0x600;
	s29 =	simm.s32 $0x300;
	s4 =	smul.u32 $0x28, s12  }
0x7: {  	s30 =	simm.s32 $0x680;
	s31 =	simm.s32 $0x380;
	s6 =	smul.u32 $0x78, s12  }
0x8: {  	s5 =	sand.u32 $0x1, s3;
	s3 =	simm.s32 $0x0;
	s20 =	smul.u32 $0x14000, s12  }
0x9: {  	s21 =	smul.u32 $0x50000, s12;
	s23 =	sshll.u32 s12, $0x6;
	p0 =	seq.s32 s5, $0x0  }
0xa: {  	[smem:$0x7FF] =	sst s3;
	s7 =	smul.u32 $0x140000, s5;
	s5 =	ssub.s32 $0x2, s5  }
0xb: {  	s12 =	sor.u32 $0x1C03, s23;
	s23 =	simm.s32 $0x500;
	s4 =	sadd.s32 $0x780, s4  }
0xc: {  	_ =	strace $0x8000004A;
	s9 =	sshrl.u32 s20, $0x3;
	s22 =	sshrl.u32 s5, $0x1  }
0xd: {  	s4 =	smov.u32 @p0 s6;
	s6 =	sadd.s32 s20, s7;
	s9 =	sadd.s32 s9, s0  }
0xe: {  	s7 =	sshrl.u32 s21, $0x2;
	s5 =	ssub.s32 s5, s22;
	s20 =	simm.s32 $0x100  }
0xf: {  	s21 =	simm.s32 $0x480;
	s22 =	simm.s32 $0x180;
	s8 =	sshll.u32 s4, $0x4  }
0x10: {  	s4 =	sadd.s32 $0xB200, s0;
	s6 =	sshrl.u32 s6, $0x3;
	s11 =	sadd.s32 s7, s2  }
0x11: {  	s24 =	sadd.s32 $0x33200, s9;
	s7 =	simm.s32 $0xF;
	s25 =	smax.u32 s5, $0x1  }
0x12: {  	s5 =	simm.s32 $0x0;
	s10 =	sadd.s32 s8, s0;
	[dreg:$0x4] =	wrdreg s24  }
0x13: {  	s0 =	sadd.s32 s6, s0;
	s7 =	simm.s32 @!p0 $0x5;
	[dreg:$0x6] =	wrdreg s25  }
0x14: {  	s26 =	sadd.s32 s8, s1;
	s11 =	sshrl.u32 s11, $0x3;
	s24 =	simm.s32 $0x200  }
0x15: {  	s25 =	simm.s32 $0x580;
	s1 =	simm.s32 $0x700;
	s0 =	sadd.s32 $0x5B200, s0  }
0x16: {  	[dreg:$0x7] =	wrdreg s26;
	s6 =	sadd.s32 $0x1200, s10;
	s10 =	smov.u32 s12  }
0x17: {  	s26 =	simm.s32 $0x280;
	[dreg:$0x5] =	wrdreg s0;
	s0 =	simm.s32 $0x780  }
.LBB2_1:
0x18: {  	s8 =	rddreg [dreg:$0x4]  }
0x19: {  	[spmem:s11], [sflag:s10] =	dma.local [hbm:s8], $0x2800  }
0x1a: {  	_ =	swait.ge [sflag:s13], $0x2800  }
0x1b: {  	[sflag:s13] =	ssyncset.done $0x0  }
0x1c: {  	[sflag:s13] =	ssyncadd.s32 $0xFFFFD800  }
0x1d: {  	[bflag:$0x0] =	sbarrier.arrive $0xFFFF  }
0x1e: {  	[tilespmem:s3], [sflag:$0x3] =	stream.linear.gather [hbm4b:s6+s3], $0x400, $0x38;
	[tilespmem:$0x1C800] =	vst v63  }
0x1f: {  	_ =	swait.ge [sflag:s13], $0x400  }
0x20: {  	[sflag:s13] =	ssyncset.done $0x0  }
0x21: {  	s12 =	smov.u32 s10;
	s10 =	rddreg [dreg:$0x7];
	[sflag:s13] =	ssyncadd.s32 $0xFFFFFC00  }
0x22: {  	[tilespmem:s14], [sflag:$0x3] =	stream.linear.gather [hbm4b:s10+s3], $0x400, $0x38;
	[tilespmem:$0x1C800] =	vst v63  }
0x23: {  	_ =	swait.ge [sflag:s13], $0x400  }
0x24: {  	[sflag:s13] =	ssyncset.done $0x0  }
0x25: {  	[sflag:s13] =	ssyncadd.s32 $0xFFFFFC00  }
0x26: {  	[tilespmem:s16], [sflag:$0x1] =	stream.indirect.gather [hbm4b:s4+s15], $0x80, s3, s15, $0xb8;
	[tilespmem:$0x1C800] =	vst v63  }
0x27: {  	_ =	swait.ge [sflag:s17], $0x4000  }
0x28: {  	[sflag:s17] =	ssyncset.done $0x0  }
0x29: {  	[sflag:s17] =	ssyncadd.s32 $0xFFFFC000  }
0x2a: {  	[tilespmem:s18], [sflag:$0x2] =	stream.indirect.gather [hbm4b:s4+s15], $0x80, s15, s15, $0xb8;
	[tilespmem:$0x1C800] =	vst v63  }
0x2b: {  	_ = 	snop  }
0x2c: {  	[spmem:s2] =	stream.indirect.scatter.add.f32 [tilespmem:s16], [sflag:$0x3], $0x80, s14, s15, $0xb8;
	[tilespmem:$0x1C800] =	vst v63  }
0x2d: {  	_ =	swait.ge [sflag:s13], $0x4000  }
0x2e: {  	[sflag:s13] =	ssyncset.done $0x0  }
0x2f: {  	[sflag:s13] =	ssyncadd.s32 $0xFFFFC000  }
0x30: {  	_ =	swait.ge [sflag:s19], $0x4000  }
0x31: {  	[sflag:s19] =	ssyncset.done $0x0  }
0x32: {  	[sflag:s19] =	ssyncadd.s32 $0xFFFFC000  }
0x33: {  	[tilespmem:s16], [sflag:$0x1] =	stream.indirect.gather [hbm4b:s4+s15], $0x80, s20, s15, $0xb8;
	[tilespmem:$0x1C800] =	vst v63  }
0x34: {  	_ = 	snop  }
0x35: {  	[spmem:s2] =	stream.indirect.scatter.add.f32 [tilespmem:s18], [sflag:$0x3], $0x80, s21, s15, $0xb8;
	[tilespmem:$0x1C800] =	vst v63  }
0x36: {  	_ =	swait.ge [sflag:s13], $0x4000  }
0x37: {  	[sflag:s13] =	ssyncset.done $0x0  }
0x38: {  	[sflag:s13] =	ssyncadd.s32 $0xFFFFC000  }
0x39: {  	_ =	swait.ge [sflag:s17], $0x4000  }
0x3a: {  	[sflag:s17] =	ssyncset.done $0x0  }
0x3b: {  	[sflag:s17] =	ssyncadd.s32 $0xFFFFC000  }
0x3c: {  	[tilespmem:s18], [sflag:$0x2] =	stream.indirect.gather [hbm4b:s4+s15], $0x80, s22, s15, $0xb8;
	[tilespmem:$0x1C800] =	vst v63  }
0x3d: {  	_ = 	snop  }
0x3e: {  	[spmem:s2] =	stream.indirect.scatter.add.f32 [tilespmem:s16], [sflag:$0x3], $0x80, s23, s15, $0xb8;
	[tilespmem:$0x1C800] =	vst v63  }
0x3f: {  	_ =	swait.ge [sflag:s13], $0x4000  }
0x40: {  	[sflag:s13] =	ssyncset.done $0x0  }
0x41: {  	[sflag:s13] =	ssyncadd.s32 $0xFFFFC000  }
0x42: {  	_ =	swait.ge [sflag:s19], $0x4000  }
0x43: {  	[sflag:s19] =	ssyncset.done $0x0  }
0x44: {  	[sflag:s19] =	ssyncadd.s32 $0xFFFFC000  }
0x45: {  	[tilespmem:s16], [sflag:$0x1] =	stream.indirect.gather [hbm4b:s4+s15], $0x80, s24, s15, $0xb8;
	[tilespmem:$0x1C800] =	vst v63  }
0x46: {  	_ = 	snop  }
0x47: {  	[spmem:s2] =	stream.indirect.scatter.add.f32 [tilespmem:s18], [sflag:$0x3], $0x80, s25, s15, $0xb8;
	[tilespmem:$0x1C800] =	vst v63  }
0x48: {  	_ =	swait.ge [sflag:s13], $0x4000  }
0x49: {  	[sflag:s13] =	ssyncset.done $0x0  }
0x4a: {  	[sflag:s13] =	ssyncadd.s32 $0xFFFFC000  }
0x4b: {  	_ =	swait.ge [sflag:s17], $0x4000  }
0x4c: {  	[sflag:s17] =	ssyncset.done $0x0  }
0x4d: {  	[sflag:s17] =	ssyncadd.s32 $0xFFFFC000  }
0x4e: {  	[tilespmem:s18], [sflag:$0x2] =	stream.indirect.gather [hbm4b:s4+s15], $0x80, s26, s15, $0xb8;
	[tilespmem:$0x1C800] =	vst v63  }
0x4f: {  	_ = 	snop  }
0x50: {  	[spmem:s2] =	stream.indirect.scatter.add.f32 [tilespmem:s16], [sflag:$0x3], $0x80, s28, s15, $0xb8;
	[tilespmem:$0x1C800] =	vst v63  }
0x51: {  	_ =	swait.ge [sflag:s13], $0x4000  }
0x52: {  	[sflag:s13] =	ssyncset.done $0x0  }
0x53: {  	[sflag:s13] =	ssyncadd.s32 $0xFFFFC000  }
0x54: {  	_ =	swait.ge [sflag:s19], $0x4000  }
0x55: {  	[sflag:s19] =	ssyncset.done $0x0  }
0x56: {  	[sflag:s19] =	ssyncadd.s32 $0xFFFFC000  }
0x57: {  	[tilespmem:s16], [sflag:$0x1] =	stream.indirect.gather [hbm4b:s4+s15], $0x80, s29, s15, $0xb8;
	[tilespmem:$0x1C800] =	vst v63  }
0x58: {  	_ = 	snop  }
0x59: {  	[spmem:s2] =	stream.indirect.scatter.add.f32 [tilespmem:s18], [sflag:$0x3], $0x80, s30, s15, $0xb8;
	[tilespmem:$0x1C800] =	vst v63  }
0x5a: {  	_ =	swait.ge [sflag:s13], $0x4000  }
0x5b: {  	[sflag:s13] =	ssyncset.done $0x0  }
0x5c: {  	[sflag:s13] =	ssyncadd.s32 $0xFFFFC000  }
0x5d: {  	_ =	swait.ge [sflag:s17], $0x4000  }
0x5e: {  	[sflag:s17] =	ssyncset.done $0x0  }
0x5f: {  	[sflag:s17] =	ssyncadd.s32 $0xFFFFC000  }
0x60: {  	[tilespmem:s18], [sflag:$0x2] =	stream.indirect.gather [hbm4b:s4+s15], $0x80, s31, s15, $0xb8;
	[tilespmem:$0x1C800] =	vst v63  }
0x61: {  	_ = 	snop  }
0x62: {  	[spmem:s2] =	stream.indirect.scatter.add.f32 [tilespmem:s16], [sflag:$0x3], $0x80, s1, s15, $0xb8;
	[tilespmem:$0x1C800] =	vst v63  }
0x63: {  	_ =	swait.ge [sflag:s13], $0x4000  }
0x64: {  	[sflag:s13] =	ssyncset.done $0x0  }
0x65: {  	[sflag:s13] =	ssyncadd.s32 $0xFFFFC000  }
0x66: {  	p0 =	sne.s32 s7, $0x1;
	_ =	swait.ge [sflag:s19], $0x4000  }
.Ltmp0:
0x67: {  	[sflag:s19] =	ssyncset.done $0x0;
	(pc) =	sbr.rel @!p0 .LBB2_3-.Ltmp0, $4  }
0x68: {  	[sflag:s19] =	ssyncadd.s32 $0xFFFFC000  }
0x69: {  	[spmem:s2] =	stream.indirect.scatter.add.f32 [tilespmem:s18], [sflag:$0x3], $0x80, s0, s15, $0xb8;
	[tilespmem:$0x1C800] =	vst v63  }
0x6a: {  	s9 =	smov.u32 s11;
	_ =	swait.ge [sflag:s13], $0x4000  }
0x6b: {  	s8 =	sadd.s32 $0xFFFFFFFF, s7;
	s11 =	smov.u32 s6;
	[sflag:s13] =	ssyncset.done $0x0  }
.LBB2_2:
0x6c: {  	[sflag:s13] =	ssyncadd.s32 $0xFFFFC000;
	s10 =	sadd.s32 $0x80, s10;
	s11 =	sadd.s32 $0x80, s11  }
0x6d: {  	[tilespmem:s3], [sflag:$0x3] =	stream.linear.gather [hbm4b:s11+s3], $0x400, $0x38;
	[tilespmem:$0x1C800] =	vst v63  }
0x6e: {  	p0 =	sne.s32 s8, $0x1;
	s8 =	sadd.s32 $0xFFFFFFFF, s8;
	_ =	swait.ge [sflag:s13], $0x400  }
0x6f: {  	[sflag:s13] =	ssyncset.done $0x0  }
0x70: {  	[sflag:s13] =	ssyncadd.s32 $0xFFFFFC00  }
0x71: {  	[tilespmem:s14], [sflag:$0x3] =	stream.linear.gather [hbm4b:s10+s3], $0x400, $0x38;
	[tilespmem:$0x1C800] =	vst v63  }
0x72: {  	_ =	swait.ge [sflag:s13], $0x400  }
0x73: {  	[sflag:s13] =	ssyncset.done $0x0  }
0x74: {  	[sflag:s13] =	ssyncadd.s32 $0xFFFFFC00  }
0x75: {  	[tilespmem:s16], [sflag:$0x1] =	stream.indirect.gather [hbm4b:s4+s15], $0x80, s3, s15, $0xb8;
	[tilespmem:$0x1C800] =	vst v63  }
0x76: {  	_ =	swait.ge [sflag:s17], $0x4000  }
0x77: {  	[sflag:s17] =	ssyncset.done $0x0  }
0x78: {  	[sflag:s17] =	ssyncadd.s32 $0xFFFFC000  }
0x79: {  	[tilespmem:s18], [sflag:$0x2] =	stream.indirect.gather [hbm4b:s4+s15], $0x80, s15, s15, $0xb8;
	[tilespmem:$0x1C800] =	vst v63  }
0x7a: {  	_ = 	snop  }
0x7b: {  	[spmem:s2] =	stream.indirect.scatter.add.f32 [tilespmem:s16], [sflag:$0x3], $0x80, s14, s15, $0xb8;
	[tilespmem:$0x1C800] =	vst v63  }
0x7c: {  	_ =	swait.ge [sflag:s13], $0x4000  }
0x7d: {  	[sflag:s13] =	ssyncset.done $0x0  }
0x7e: {  	[sflag:s13] =	ssyncadd.s32 $0xFFFFC000  }
0x7f: {  	_ =	swait.ge [sflag:s19], $0x4000  }
0x80: {  	[sflag:s19] =	ssyncset.done $0x0  }
0x81: {  	[sflag:s19] =	ssyncadd.s32 $0xFFFFC000  }
0x82: {  	[tilespmem:s16], [sflag:$0x1] =	stream.indirect.gather [hbm4b:s4+s15], $0x80, s20, s15, $0xb8;
	[tilespmem:$0x1C800] =	vst v63  }
0x83: {  	_ = 	snop  }
0x84: {  	[spmem:s2] =	stream.indirect.scatter.add.f32 [tilespmem:s18], [sflag:$0x3], $0x80, s21, s15, $0xb8;
	[tilespmem:$0x1C800] =	vst v63  }
0x85: {  	_ =	swait.ge [sflag:s13], $0x4000  }
0x86: {  	[sflag:s13] =	ssyncset.done $0x0  }
0x87: {  	[sflag:s13] =	ssyncadd.s32 $0xFFFFC000  }
0x88: {  	_ =	swait.ge [sflag:s17], $0x4000  }
0x89: {  	[sflag:s17] =	ssyncset.done $0x0  }
0x8a: {  	[sflag:s17] =	ssyncadd.s32 $0xFFFFC000  }
0x8b: {  	[tilespmem:s18], [sflag:$0x2] =	stream.indirect.gather [hbm4b:s4+s15], $0x80, s22, s15, $0xb8;
	[tilespmem:$0x1C800] =	vst v63  }
0x8c: {  	_ = 	snop  }
0x8d: {  	[spmem:s2] =	stream.indirect.scatter.add.f32 [tilespmem:s16], [sflag:$0x3], $0x80, s23, s15, $0xb8;
	[tilespmem:$0x1C800] =	vst v63  }
0x8e: {  	_ =	swait.ge [sflag:s13], $0x4000  }
0x8f: {  	[sflag:s13] =	ssyncset.done $0x0  }
0x90: {  	[sflag:s13] =	ssyncadd.s32 $0xFFFFC000  }
0x91: {  	_ =	swait.ge [sflag:s19], $0x4000  }
0x92: {  	[sflag:s19] =	ssyncset.done $0x0  }
0x93: {  	[sflag:s19] =	ssyncadd.s32 $0xFFFFC000  }
0x94: {  	[tilespmem:s16], [sflag:$0x1] =	stream.indirect.gather [hbm4b:s4+s15], $0x80, s24, s15, $0xb8;
	[tilespmem:$0x1C800] =	vst v63  }
0x95: {  	_ = 	snop  }
0x96: {  	[spmem:s2] =	stream.indirect.scatter.add.f32 [tilespmem:s18], [sflag:$0x3], $0x80, s25, s15, $0xb8;
	[tilespmem:$0x1C800] =	vst v63  }
0x97: {  	_ =	swait.ge [sflag:s13], $0x4000  }
0x98: {  	[sflag:s13] =	ssyncset.done $0x0  }
0x99: {  	[sflag:s13] =	ssyncadd.s32 $0xFFFFC000  }
0x9a: {  	_ =	swait.ge [sflag:s17], $0x4000  }
0x9b: {  	[sflag:s17] =	ssyncset.done $0x0  }
0x9c: {  	[sflag:s17] =	ssyncadd.s32 $0xFFFFC000  }
0x9d: {  	[tilespmem:s18], [sflag:$0x2] =	stream.indirect.gather [hbm4b:s4+s15], $0x80, s26, s15, $0xb8;
	[tilespmem:$0x1C800] =	vst v63  }
0x9e: {  	_ = 	snop  }
0x9f: {  	[spmem:s2] =	stream.indirect.scatter.add.f32 [tilespmem:s16], [sflag:$0x3], $0x80, s28, s15, $0xb8;
	[tilespmem:$0x1C800] =	vst v63  }
0xa0: {  	_ =	swait.ge [sflag:s13], $0x4000  }
0xa1: {  	[sflag:s13] =	ssyncset.done $0x0  }
0xa2: {  	[sflag:s13] =	ssyncadd.s32 $0xFFFFC000  }
0xa3: {  	_ =	swait.ge [sflag:s19], $0x4000  }
0xa4: {  	[sflag:s19] =	ssyncset.done $0x0  }
0xa5: {  	[sflag:s19] =	ssyncadd.s32 $0xFFFFC000  }
0xa6: {  	[tilespmem:s16], [sflag:$0x1] =	stream.indirect.gather [hbm4b:s4+s15], $0x80, s29, s15, $0xb8;
	[tilespmem:$0x1C800] =	vst v63  }
0xa7: {  	_ = 	snop  }
0xa8: {  	[spmem:s2] =	stream.indirect.scatter.add.f32 [tilespmem:s18], [sflag:$0x3], $0x80, s30, s15, $0xb8;
	[tilespmem:$0x1C800] =	vst v63  }
0xa9: {  	_ =	swait.ge [sflag:s13], $0x4000  }
0xaa: {  	[sflag:s13] =	ssyncset.done $0x0  }
0xab: {  	[sflag:s13] =	ssyncadd.s32 $0xFFFFC000  }
0xac: {  	_ =	swait.ge [sflag:s17], $0x4000  }
0xad: {  	[sflag:s17] =	ssyncset.done $0x0  }
0xae: {  	[sflag:s17] =	ssyncadd.s32 $0xFFFFC000  }
0xaf: {  	[tilespmem:s18], [sflag:$0x2] =	stream.indirect.gather [hbm4b:s4+s15], $0x80, s31, s15, $0xb8;
	[tilespmem:$0x1C800] =	vst v63  }
0xb0: {  	_ = 	snop  }
0xb1: {  	[spmem:s2] =	stream.indirect.scatter.add.f32 [tilespmem:s16], [sflag:$0x3], $0x80, s1, s15, $0xb8;
	[tilespmem:$0x1C800] =	vst v63  }
0xb2: {  	_ =	swait.ge [sflag:s13], $0x4000  }
0xb3: {  	[sflag:s13] =	ssyncset.done $0x0  }
0xb4: {  	[sflag:s13] =	ssyncadd.s32 $0xFFFFC000  }
0xb5: {  	_ =	swait.ge [sflag:s19], $0x4000  }
.Ltmp1:
0xb6: {  	[sflag:s19] =	ssyncset.done $0x0;
	(pc) =	sbr.rel @p0 .LBB2_2-.Ltmp1, $4  }
0xb7: {  	[sflag:s19] =	ssyncadd.s32 $0xFFFFC000  }
0xb8: {  	[spmem:s2] =	stream.indirect.scatter.add.f32 [tilespmem:s18], [sflag:$0x3], $0x80, s0, s15, $0xb8;
	[tilespmem:$0x1C800] =	vst v63  }
0xb9: {  	_ =	swait.ge [sflag:s13], $0x4000  }
0xba: {  	[sflag:s13] =	ssyncset.done $0x0  }
.LBB2_3:
0xbb: {  	[sflag:s13] =	ssyncadd.s32 $0xFFFFC000  }
0xbc: {  	[bflag:$0x0] =	sbarrier.arrive $0xFFFF  }
0xbd: {  	s8 =	rddreg [dreg:$0x5]  }
0xbe: {  	[hbm:s8], [sflag:s12] =	dma.local [spmem:s9], $0x2800  }
0xbf: {  	_ =	swait.ge [sflag:s13], $0x2800  }
0xc0: {  	s10 =	smov.u32 s12;
	s5 =	sadd.s32 $0x1, s5;
	s12 =	rddreg [dreg:$0x6]  }
0xc1: {  	p0 =	sne.s32 s5, s12  }
.Ltmp2:
0xc2: {  	_ = 	snop;
	(pc) =	sbr.rel @p0 .LBB2_1-.Ltmp2, $3  }
0xc3: {  	_ =	sdelay $0x1  }
0xc4: {  	[sflag:s13] =	ssyncset.done $0x0  }
0xc5: {  	s11 =	smov.u32 s9;
	[sflag:s13] =	ssyncadd.s32 $0xFFFFD800  }
0xc6: {  	_ =	sfence.sel $0x180000  }
0xc7: {  	[bflag:$0x0] =	sbarrier.arrive $0xFFFF  }
0xc8: {  	_ =	strace $0x9000004A  }
0xc9: {  	s0 =	stileid.u32;
	[bflag:$0x2] =	sbarrier.arrive $0xFFFF  }
0xca: {  	p0 =	sne.s32 s0, $0x0;
	s0 =	rddreg [dreg:$0x3]  }
0xcb: {  	s0 =	sadd.s32 @!p0 $0x100000, s0  }
0xcc: {  	[sflag:s0] =	ssyncadd.tile.s32 @!p0 $0x1;
	_ =	shalt  }
.Lfunc_end2:
_tile_overlayer_lowered:
.L_overlay_start_2:
0xcd: {  	(tag) =	ssettag $0x2  }
0xce: {  	s0 =	rddreg [dreg:$0x0];
	s2 =	stileid.u32  }
0xcf: {  	s1 =	rddreg [dreg:$0x1];
	p0 =	sne.s32 s2, $0x0  }
0xd0: {  	s3 =	rddreg [dreg:$0x2];
	[bflag:$0x3] =	sbarrier.arrive $0xFFFF;
	s2 =	simm.s32 @!p0 $0x1C03  }
0xd1: {  	[timem:s3], [sflag:s2] =	dma.local @!p0 [hbm:s0], s1  }
0xd2: {  	s0 =	simm.s32 @!p0 $0x3  }
0xd3: {  	_ =	swait.ge @!p0 [sflag:s0], s1  }
0xd4: {  	s1 =	ssub.s32 @!p0 $0x0, s1;
	[sflag:s0] =	ssyncset.done @!p0 $0x0  }
0xd5: {  	[sflag:s0] =	ssyncadd.s32 @!p0 s1  }
0xd6: {  	[bflag:$0x3] =	sbarrier.arrive $0xFFFF  }
0xd7: {  	_ =	shalt  }

</sc_bundles>
